<compile_context>
chip_gen: v7x
topology: tpu7x:2x2x1
jax: 0.10.2.dev20260603
libtpu: 0.0.44.dev20260713+nightly
codegen_flags: <defaults>
</compile_context>

<pallas_src>
import functools

import jax
import jax.numpy as jnp
from jax import lax
from jax.experimental import pallas as pl
from jax.experimental.pallas import tpu as pltpu
from jax.experimental.pallas import tpu_sc as plsc

_NC = 2
_NS = 16
_NW = _NC * _NS
_L = 16
_BIG = 1 << 20


@functools.lru_cache(maxsize=None)
def _build(B, S, V, D, N):
    T = B * S
    CHUNK = T // _NW
    CPR = S // CHUNK
    SUB = 64
    NSUB = CHUNK // SUB
    NG = CHUNK // _L
    NCOL = D // _L
    assert T % _NW == 0 and CHUNK % SUB == 0 and D % _L == 0
    assert S % CHUNK == 0
    assert N <= _L

    mesh = plsc.VectorSubcoreMesh(core_axis_name="c", subcore_axis_name="s")

    @functools.partial(
        pl.kernel,
        mesh=mesh,
        compiler_params=pltpu.CompilerParams(needs_layout_passes=False),
        out_type=jax.ShapeDtypeStruct((B, S, D), jnp.float32),
        scratch_types=[
            pltpu.VMEM((B, CHUNK + 128), jnp.int32),
            pltpu.VMEM((N * D,), jnp.float32),
            pltpu.VMEM((CHUNK, D), jnp.float32),
            pltpu.SemaphoreType.DMA((NSUB,)),
            pltpu.SemaphoreType.DMA((NSUB,)),
            pltpu.SemaphoreType.DMA((2,)),
        ],
    )
    def _soft_embed(tok_hbm, wte_hbm, learned_hbm, out_hbm,
                    tok_v, learned_v, rows_v, gsem, wsem, tsem):
        wid = lax.axis_index("s") * _NC + lax.axis_index("c")
        b = wid // CPR
        col = pl.multiple_of((wid % CPR) * CHUNK, 128)

        row_last = col == S - CHUNK
        col2 = pl.multiple_of(jnp.where(row_last, 0, col + CHUNK), 128)
        cp_main = pltpu.async_copy(
            tok_hbm.at[pl.ds(0, B), pl.ds(col, CHUNK)],
            tok_v.at[pl.ds(0, B), pl.ds(0, CHUNK)], tsem.at[0])
        cp_look = pltpu.async_copy(
            tok_hbm.at[pl.ds(0, B), pl.ds(col2, 128)],
            tok_v.at[pl.ds(0, B), pl.ds(CHUNK, 128)], tsem.at[1])
        cp_main.wait()

        gcps = [
            pltpu.async_copy(
                wte_hbm.at[tok_v.at[b, pl.ds(q * SUB, SUB)]],
                rows_v.at[pl.ds(q * SUB, SUB)],
                gsem.at[q],
            )
            for q in range(NSUB)
        ]

        lane = lax.iota(jnp.int32, _L)

        def _scan_group(q, acc):
            t = tok_v[b, pl.ds(q * _L, _L)]
            m = t == 0
            c = plsc.all_reduce_population_count(m)
            f = plsc.all_reduce_ffs(m)
            return jnp.minimum(acc, jnp.where(c > 0, f + q * _L, _BIG))

        loc_v = lax.fori_loop(0, NG, _scan_group,
                              jnp.full((_L,), _BIG, jnp.int32))
        cp_look.wait()
        b2 = jnp.where(row_last, jnp.minimum(b + 1, B - 1), b)
        t = tok_v[b2, pl.ds(CHUNK, _L)]
        m = jnp.logical_and(jnp.logical_and(t == 0, lane < N), wid < _NW - 1)
        c = plsc.all_reduce_population_count(m)
        f = plsc.all_reduce_ffs(m)
        loc_v = jnp.minimum(loc_v, jnp.where(c > 0, f + CHUNK, _BIG))

        loc = jnp.min(loc_v)

        @pl.when(loc - N < CHUNK)
        def _():
            pltpu.sync_copy(learned_hbm, learned_v)

        wcps = []
        for q in range(NSUB):
            gcps[q].wait()
            lo, hi = q * SUB, (q + 1) * SUB

            @pl.when(jnp.logical_and(loc - N < hi, loc > lo))
            def _():
                def _patch_row(o, carry):
                    pv = loc_v - (N - o)
                    mk = jnp.logical_and(pv >= lo, pv < hi)
                    for cg in range(NCOL):
                        cols = lane + cg * _L
                        src = learned_v[pl.ds(o * D + cg * _L, _L)]
                        plsc.store_scatter(rows_v, [pv, cols], src, mask=mk)
                    return carry

                lax.fori_loop(0, N, _patch_row, 0)

            wcps.append(
                pltpu.async_copy(
                    rows_v.at[pl.ds(lo, SUB)],
                    out_hbm.at[b, pl.ds(col + lo, SUB)],
                    wsem.at[q],
                )
            )
        for cp in wcps:
            cp.wait()

    return _soft_embed


def kernel(tokens, wte_weight, learned_embedding):
    B, S = tokens.shape
    V, D = wte_weight.shape
    N = learned_embedding.shape[0]
    k = _build(B, S, V, D, N)
    return k(tokens.astype(jnp.int32),
             wte_weight.astype(jnp.float32),
             learned_embedding.astype(jnp.float32).reshape(-1))

# --- scband reference (transcript-rebuilt; emitter-appended) ---
"""Pipeline reference for scband-soft-embedding-35476429866011 (READ-ONLY COPY).

The authoritative reference and input builder live on the scoring server;
editing this copy changes nothing except your own understanding.
"""

import jax, jax.numpy as jnp
import numpy as np

V = 100000      # vocab size (num_embeddings)
D = 128         # embedding_dim
B = 4           # batch
S = 2048        # seq_len
N_TOKENS = 10   # number of soft prompt tokens
MASK_ID = 0     # mask_token_id


def setup_inputs(seed: int = 0) -> dict:
    key = jax.random.key(seed)
    k1, k2 = jax.random.split(key, 2)
    # tokens in [1, V) so MASK_ID=0 appears exactly once per row where we place it
    tokens = jax.random.randint(k1, (B, S), 1, V, dtype=jnp.int64)
    # place one mask token per row at a position >= N_TOKENS (varies per row)
    cols = N_TOKENS + (jnp.arange(B) * 37) % (S - N_TOKENS)
    tokens = tokens.at[jnp.arange(B), cols].set(MASK_ID)
    # wte weight table
    wte_weight = jax.random.normal(k2, (V, D), dtype=jnp.float32) * 0.02
    # initialize_from_vocab=True: learned_embedding = wte.weight[:n_tokens].clone().detach()
    learned_embedding = wte_weight[:N_TOKENS]
    return {"tokens": tokens, "wte_weight": wte_weight, "learned_embedding": learned_embedding}


def reference(tokens, wte_weight, learned_embedding):
    # mask_locs: column index of the mask token in each row (one per row)
    mask_locs = jnp.argmax(tokens == MASK_ID, axis=1)          # [B]
    # input_embedding = self.wte(tokens)
    input_embedding = jnp.take(wte_weight, tokens, axis=0)    # [B, S, D]
    # overwrite positions [loc - n_tokens, loc) of each row with learned_embedding
    pos = jnp.arange(tokens.shape[1])[None, :]                 # [1, S]
    start = (mask_locs - N_TOKENS)[:, None]                    # [B, 1]
    in_range = (pos >= start) & (pos < mask_locs[:, None])     # [B, S]
    offset = jnp.clip(pos - start, 0, N_TOKENS - 1)            # [B, S]
    soft = jnp.take(learned_embedding, offset, axis=0)         # [B, S, D]
    out = jnp.where(in_range[..., None], soft, input_embedding)
    return out

if __name__ == "__main__":
    import jax
    _d = setup_inputs()
    print(jax.jit(kernel)(*tuple(_d.values())))

</pallas_src>

<mosaic_0001>
#map = affine_map<(d0, d1) -> (0, 0)>
#map1 = affine_map<(d0, d1) -> (0)>
#map2 = affine_map<(d0, d1) -> (0, 0, 0)>
module attributes {stable_mosaic.version = 14 : i64} {
  func.func @_soft_embed(%arg0: i32, %arg1: i32, %arg2: memref<4x2048xi32, #tpu.memory_space<hbm>>, %arg3: memref<100000x128xf32, #tpu.memory_space<hbm>>, %arg4: memref<1280xf32, #tpu.memory_space<hbm>>, %arg5: memref<4x2048x128xf32, #tpu.memory_space<hbm>>, %arg6: memref<4x384xi32, #tpu.memory_space<vmem>>, %arg7: memref<1280xf32, #tpu.memory_space<vmem>>, %arg8: memref<256x128xf32, #tpu.memory_space<vmem>>, %arg9: memref<4x!tpu.dma_semaphore, #tpu.memory_space<semaphore_mem>>, %arg10: memref<4x!tpu.dma_semaphore, #tpu.memory_space<semaphore_mem>>, %arg11: memref<2x!tpu.dma_semaphore, #tpu.memory_space<semaphore_mem>>) attributes {dimension_semantics = [#tpu.dimension_semantics<core_parallel>, #tpu.dimension_semantics<subcore_parallel>], iteration_bounds = array<i64: 2, 16>, scalar_prefetch = 0 : i64, scratch_operands = 6 : i64, tpu.core_type = #tpu.core_type<sc_vector_subcore>, window_params = [{transform_indices = #map}, {transform_indices = #map}, {transform_indices = #map1}, {transform_indices = #map2}]} {
    %mul3A = arith.constant 2 : i32
    %mul3A_0 = arith.muli %arg1, %mul3A : i32
    %add3A = arith.addi %mul3A_0, %arg0 : i32
    %jit3A = arith.constant 8 : i32
    %div3A = arith.divsi %add3A, %jit3A : i32
    %sign3A = arith.constant 0 : i32
    %sign3A_1 = arith.cmpi sgt, %add3A, %sign3A : i32
    %sign3A_2 = arith.extui %sign3A_1 : i1 to i32
    %sign3A_3 = arith.constant 0 : i32
    %sign3A_4 = arith.cmpi slt, %add3A, %sign3A_3 : i32
    %sign3A_5 = arith.extui %sign3A_4 : i1 to i32
    %sign3A_6 = arith.subi %sign3A_2, %sign3A_5 : i32
    %sign3A_7 = arith.constant 0 : i32
    %sign3A_8 = arith.cmpi sgt, %jit3A, %sign3A_7 : i32
    %sign3A_9 = arith.extui %sign3A_8 : i1 to i32
    %sign3A_10 = arith.constant 0 : i32
    %sign3A_11 = arith.cmpi slt, %jit3A, %sign3A_10 : i32
    %sign3A_12 = arith.extui %sign3A_11 : i1 to i32
    %sign3A_13 = arith.subi %sign3A_9, %sign3A_12 : i32
    %ne3A = arith.cmpi ne, %sign3A_6, %sign3A_13 : i32
    %rem3A = arith.remsi %add3A, %jit3A : i32
    %ne3A_14 = arith.constant 0 : i32
    %ne3A_15 = arith.cmpi ne, %rem3A, %ne3A_14 : i32
    %and3A = arith.andi %ne3A, %ne3A_15 : i1
    %sub3A = arith.constant 1 : i32
    %sub3A_16 = arith.subi %div3A, %sub3A : i32
    %select_n3A = arith.select %and3A, %sub3A_16, %div3A : i32
    %jit3A_17 = arith.constant 8 : i32
    %eq3A = arith.constant 0 : i32
    %eq3A_18 = arith.cmpi eq, %jit3A_17, %eq3A : i32
    %jit3A_19 = arith.constant 1 : i32
    %select_n3A_20 = arith.select %eq3A_18, %jit3A_19, %jit3A_17 : i32
    %rem3A_21 = arith.remsi %add3A, %select_n3A_20 : i32
    %ne3A_22 = arith.constant 0 : i32
    %ne3A_23 = arith.cmpi ne, %rem3A_21, %ne3A_22 : i32
    %lt3A = arith.constant 0 : i32
    %lt3A_24 = arith.cmpi slt, %rem3A_21, %lt3A : i32
    %lt3A_25 = arith.constant 0 : i32
    %lt3A_26 = arith.cmpi slt, %select_n3A_20, %lt3A_25 : i32
    %ne3A_27 = arith.xori %lt3A_24, %lt3A_26 : i1
    %and3A_28 = arith.andi %ne3A_27, %ne3A_23 : i1
    %add3A_29 = arith.addi %rem3A_21, %select_n3A_20 : i32
    %select_n3A_30 = arith.select %and3A_28, %add3A_29, %rem3A_21 : i32
    %mul3A_31 = arith.constant 256 : i32
    %mul3A_32 = arith.muli %select_n3A_30, %mul3A_31 : i32
    %multiple_of3A = tpu.assume_multiple %mul3A_32, 128 : i32
    %eq3A_33 = arith.constant 1792 : i32
    %eq3A_34 = arith.cmpi eq, %multiple_of3A, %eq3A_33 : i32
    %add3A_35 = arith.constant 256 : i32
    %add3A_36 = arith.addi %multiple_of3A, %add3A_35 : i32
    %jit3A_37 = arith.constant 0 : i32
    %select_n3A_38 = arith.select %eq3A_34, %jit3A_37, %add3A_36 : i32
    %multiple_of3A_39 = tpu.assume_multiple %select_n3A_38, 128 : i32
    %dma_start3A = arith.constant 0 : i32
    %dma_start3A_40 = arith.constant 0 : i32
    %dma_start3A_41 = arith.constant 0 : i32
    %dma_start3A_42 = tpu.memref_slice %arg6[%dma_start3A_40, %dma_start3A_41] : memref<4x384xi32, #tpu.memory_space<vmem>> -> memref<4x256xi32, #tpu.memory_space<vmem>>
    %dma_start3A_43 = arith.constant 0 : i32
    %dma_start3A_44 = tpu.memref_slice %arg2[%dma_start3A_43, %multiple_of3A] : memref<4x2048xi32, #tpu.memory_space<hbm>> -> memref<4x256xi32, #tpu.memory_space<hbm>>
    %dma_start3A_45 = tpu.memref_slice %arg11[%dma_start3A] : memref<2x!tpu.dma_semaphore, #tpu.memory_space<semaphore_mem>> -> memref<1x!tpu.dma_semaphore, #tpu.memory_space<semaphore_mem>>
    %dma_start3A_46 = tpu.memref_squeeze %dma_start3A_45 : memref<1x!tpu.dma_semaphore, #tpu.memory_space<semaphore_mem>> -> memref<!tpu.dma_semaphore, #tpu.memory_space<semaphore_mem>>
    %dma_start3A_47 = arith.constant 0 : i32
    %dma_start3A_48 = arith.constant 0 : i32
    %dma_start3A_49 = tpu.memref_slice %arg6[%dma_start3A_47, %dma_start3A_48] : memref<4x384xi32, #tpu.memory_space<vmem>> -> memref<4x256xi32, #tpu.memory_space<vmem>>
    %dma_start3A_50 = arith.constant 0 : i32
    %dma_start3A_51 = tpu.memref_slice %arg2[%dma_start3A_50, %multiple_of3A] : memref<4x2048xi32, #tpu.memory_space<hbm>> -> memref<4x256xi32, #tpu.memory_space<hbm>>
    tpu.enqueue_dma source(%dma_start3A_51 : memref<4x256xi32, #tpu.memory_space<hbm>>) target(%dma_start3A_49 : memref<4x256xi32, #tpu.memory_space<vmem>>) target_semaphore(%dma_start3A_46 : memref<!tpu.dma_semaphore, #tpu.memory_space<semaphore_mem>>)
    %dma_start3A_52 = arith.constant 1 : i32
    %dma_start3A_53 = arith.constant 0 : i32
    %dma_start3A_54 = arith.constant 256 : i32
    %dma_start3A_55 = tpu.memref_slice %arg6[%dma_start3A_53, %dma_start3A_54] : memref<4x384xi32, #tpu.memory_space<vmem>> -> memref<4x128xi32, #tpu.memory_space<vmem>>
    %dma_start3A_56 = arith.constant 0 : i32
    %dma_start3A_57 = tpu.memref_slice %arg2[%dma_start3A_56, %multiple_of3A_39] : memref<4x2048xi32, #tpu.memory_space<hbm>> -> memref<4x128xi32, #tpu.memory_space<hbm>>
    %dma_start3A_58 = tpu.memref_slice %arg11[%dma_start3A_52] : memref<2x!tpu.dma_semaphore, #tpu.memory_space<semaphore_mem>> -> memref<1x!tpu.dma_semaphore, #tpu.memory_space<semaphore_mem>>
    %dma_start3A_59 = tpu.memref_squeeze %dma_start3A_58 : memref<1x!tpu.dma_semaphore, #tpu.memory_space<semaphore_mem>> -> memref<!tpu.dma_semaphore, #tpu.memory_space<semaphore_mem>>
    %dma_start3A_60 = arith.constant 0 : i32
    %dma_start3A_61 = arith.constant 256 : i32
    %dma_start3A_62 = tpu.memref_slice %arg6[%dma_start3A_60, %dma_start3A_61] : memref<4x384xi32, #tpu.memory_space<vmem>> -> memref<4x128xi32, #tpu.memory_space<vmem>>
    %dma_start3A_63 = arith.constant 0 : i32
    %dma_start3A_64 = tpu.memref_slice %arg2[%dma_start3A_63, %multiple_of3A_39] : memref<4x2048xi32, #tpu.memory_space<hbm>> -> memref<4x128xi32, #tpu.memory_space<hbm>>
    tpu.enqueue_dma source(%dma_start3A_64 : memref<4x128xi32, #tpu.memory_space<hbm>>) target(%dma_start3A_62 : memref<4x128xi32, #tpu.memory_space<vmem>>) target_semaphore(%dma_start3A_59 : memref<!tpu.dma_semaphore, #tpu.memory_space<semaphore_mem>>)
    %dma_wait3A = arith.constant 0 : i32
    %dma_wait3A_65 = arith.constant 0 : i32
    %dma_wait3A_66 = arith.constant 0 : i32
    %dma_wait3A_67 = tpu.memref_slice %arg6[%dma_wait3A_65, %dma_wait3A_66] : memref<4x384xi32, #tpu.memory_space<vmem>> -> memref<4x256xi32, #tpu.memory_space<vmem>>
    %dma_wait3A_68 = arith.constant 0 : i32
    %dma_wait3A_69 = tpu.memref_slice %arg2[%dma_wait3A_68, %multiple_of3A] : memref<4x2048xi32, #tpu.memory_space<hbm>> -> memref<4x256xi32, #tpu.memory_space<hbm>>
    %dma_wait3A_70 = tpu.memref_slice %arg11[%dma_wait3A] : memref<2x!tpu.dma_semaphore, #tpu.memory_space<semaphore_mem>> -> memref<1x!tpu.dma_semaphore, #tpu.memory_space<semaphore_mem>>
    %dma_wait3A_71 = tpu.memref_squeeze %dma_wait3A_70 : memref<1x!tpu.dma_semaphore, #tpu.memory_space<semaphore_mem>> -> memref<!tpu.dma_semaphore, #tpu.memory_space<semaphore_mem>>
    %dma_wait3A_72 = arith.constant 0 : i32
    %dma_wait3A_73 = arith.constant 0 : i32
    %dma_wait3A_74 = tpu.memref_slice %arg6[%dma_wait3A_72, %dma_wait3A_73] : memref<4x384xi32, #tpu.memory_space<vmem>> -> memref<4x256xi32, #tpu.memory_space<vmem>>
    %dma_wait3A_75 = arith.constant 0 : i32
    %dma_wait3A_76 = tpu.memref_slice %arg2[%dma_wait3A_75, %multiple_of3A] : memref<4x2048xi32, #tpu.memory_space<hbm>> -> memref<4x256xi32, #tpu.memory_space<hbm>>
    tpu.wait_dma2 semaphore(%dma_wait3A_71 : memref<!tpu.dma_semaphore, #tpu.memory_space<semaphore_mem>>) src(%dma_wait3A_76 : memref<4x256xi32, #tpu.memory_space<hbm>>) dst(%dma_wait3A_74 : memref<4x256xi32, #tpu.memory_space<vmem>>)
    %dma_start3A_77 = arith.constant 0 : i32
    %dma_start3A_78 = arith.constant 0 : i32
    %dma_start3A_79 = arith.constant 0 : i32
    %dma_start3A_80 = tpu.memref_slice %arg8[%dma_start3A_78, %dma_start3A_79] : memref<256x128xf32, #tpu.memory_space<vmem>> -> memref<64x128xf32, #tpu.memory_space<vmem>>
    %dma_start3A_81 = arith.constant 0 : i32
    %dma_start3A_82 = tpu.memref_slice %arg6[%select_n3A, %dma_start3A_81] : memref<4x384xi32, #tpu.memory_space<vmem>> -> memref<1x64xi32, #tpu.memory_space<vmem>>
    %dma_start3A_83 = tpu.memref_squeeze %dma_start3A_82 : memref<1x64xi32, #tpu.memory_space<vmem>> -> memref<64xi32, #tpu.memory_space<vmem>>
    %dma_start3A_84 = arith.constant 0 : i32
    %dma_start3A_85 = arith.constant 0 : i32
    %dma_start3A_86 = tpu.memref_slice %arg3[%dma_start3A_84, %dma_start3A_85] : memref<100000x128xf32, #tpu.memory_space<hbm>> -> memref<100000x128xf32, #tpu.memory_space<hbm>>
    %dma_start3A_87 = tpu.memref_slice %arg9[%dma_start3A_77] : memref<4x!tpu.dma_semaphore, #tpu.memory_space<semaphore_mem>> -> memref<1x!tpu.dma_semaphore, #tpu.memory_space<semaphore_mem>>
    %dma_start3A_88 = tpu.memref_squeeze %dma_start3A_87 : memref<1x!tpu.dma_semaphore, #tpu.memory_space<semaphore_mem>> -> memref<!tpu.dma_semaphore, #tpu.memory_space<semaphore_mem>>
    tpu.enqueue_indirect_dma source(%dma_start3A_86 : memref<100000x128xf32, #tpu.memory_space<hbm>>) target(%dma_start3A_80 : memref<64x128xf32, #tpu.memory_space<vmem>>) offsets(%dma_start3A_83 : memref<64xi32, #tpu.memory_space<vmem>>) semaphore(%dma_start3A_88 : memref<!tpu.dma_semaphore, #tpu.memory_space<semaphore_mem>>)
    %dma_start3A_89 = arith.constant 1 : i32
    %dma_start3A_90 = arith.constant 64 : i32
    %dma_start3A_91 = arith.constant 0 : i32
    %dma_start3A_92 = tpu.memref_slice %arg8[%dma_start3A_90, %dma_start3A_91] : memref<256x128xf32, #tpu.memory_space<vmem>> -> memref<64x128xf32, #tpu.memory_space<vmem>>
    %dma_start3A_93 = arith.constant 64 : i32
    %dma_start3A_94 = tpu.memref_slice %arg6[%select_n3A, %dma_start3A_93] : memref<4x384xi32, #tpu.memory_space<vmem>> -> memref<1x64xi32, #tpu.memory_space<vmem>>
    %dma_start3A_95 = tpu.memref_squeeze %dma_start3A_94 : memref<1x64xi32, #tpu.memory_space<vmem>> -> memref<64xi32, #tpu.memory_space<vmem>>
    %dma_start3A_96 = arith.constant 0 : i32
    %dma_start3A_97 = arith.constant 0 : i32
    %dma_start3A_98 = tpu.memref_slice %arg3[%dma_start3A_96, %dma_start3A_97] : memref<100000x128xf32, #tpu.memory_space<hbm>> -> memref<100000x128xf32, #tpu.memory_space<hbm>>
    %dma_start3A_99 = tpu.memref_slice %arg9[%dma_start3A_89] : memref<4x!tpu.dma_semaphore, #tpu.memory_space<semaphore_mem>> -> memref<1x!tpu.dma_semaphore, #tpu.memory_space<semaphore_mem>>
    %dma_start3A_100 = tpu.memref_squeeze %dma_start3A_99 : memref<1x!tpu.dma_semaphore, #tpu.memory_space<semaphore_mem>> -> memref<!tpu.dma_semaphore, #tpu.memory_space<semaphore_mem>>
    tpu.enqueue_indirect_dma source(%dma_start3A_98 : memref<100000x128xf32, #tpu.memory_space<hbm>>) target(%dma_start3A_92 : memref<64x128xf32, #tpu.memory_space<vmem>>) offsets(%dma_start3A_95 : memref<64xi32, #tpu.memory_space<vmem>>) semaphore(%dma_start3A_100 : memref<!tpu.dma_semaphore, #tpu.memory_space<semaphore_mem>>)
    %dma_start3A_101 = arith.constant 2 : i32
    %dma_start3A_102 = arith.constant 128 : i32
    %dma_start3A_103 = arith.constant 0 : i32
    %dma_start3A_104 = tpu.memref_slice %arg8[%dma_start3A_102, %dma_start3A_103] : memref<256x128xf32, #tpu.memory_space<vmem>> -> memref<64x128xf32, #tpu.memory_space<vmem>>
    %dma_start3A_105 = arith.constant 128 : i32
    %dma_start3A_106 = tpu.memref_slice %arg6[%select_n3A, %dma_start3A_105] : memref<4x384xi32, #tpu.memory_space<vmem>> -> memref<1x64xi32, #tpu.memory_space<vmem>>
    %dma_start3A_107 = tpu.memref_squeeze %dma_start3A_106 : memref<1x64xi32, #tpu.memory_space<vmem>> -> memref<64xi32, #tpu.memory_space<vmem>>
    %dma_start3A_108 = arith.constant 0 : i32
    %dma_start3A_109 = arith.constant 0 : i32
    %dma_start3A_110 = tpu.memref_slice %arg3[%dma_start3A_108, %dma_start3A_109] : memref<100000x128xf32, #tpu.memory_space<hbm>> -> memref<100000x128xf32, #tpu.memory_space<hbm>>
    %dma_start3A_111 = tpu.memref_slice %arg9[%dma_start3A_101] : memref<4x!tpu.dma_semaphore, #tpu.memory_space<semaphore_mem>> -> memref<1x!tpu.dma_semaphore, #tpu.memory_space<semaphore_mem>>
    %dma_start3A_112 = tpu.memref_squeeze %dma_start3A_111 : memref<1x!tpu.dma_semaphore, #tpu.memory_space<semaphore_mem>> -> memref<!tpu.dma_semaphore, #tpu.memory_space<semaphore_mem>>
    tpu.enqueue_indirect_dma source(%dma_start3A_110 : memref<100000x128xf32, #tpu.memory_space<hbm>>) target(%dma_start3A_104 : memref<64x128xf32, #tpu.memory_space<vmem>>) offsets(%dma_start3A_107 : memref<64xi32, #tpu.memory_space<vmem>>) semaphore(%dma_start3A_112 : memref<!tpu.dma_semaphore, #tpu.memory_space<semaphore_mem>>)
    %dma_start3A_113 = arith.constant 3 : i32
    %dma_start3A_114 = arith.constant 192 : i32
    %dma_start3A_115 = arith.constant 0 : i32
    %dma_start3A_116 = tpu.memref_slice %arg8[%dma_start3A_114, %dma_start3A_115] : memref<256x128xf32, #tpu.memory_space<vmem>> -> memref<64x128xf32, #tpu.memory_space<vmem>>
    %dma_start3A_117 = arith.constant 192 : i32
    %dma_start3A_118 = tpu.memref_slice %arg6[%select_n3A, %dma_start3A_117] : memref<4x384xi32, #tpu.memory_space<vmem>> -> memref<1x64xi32, #tpu.memory_space<vmem>>
    %dma_start3A_119 = tpu.memref_squeeze %dma_start3A_118 : memref<1x64xi32, #tpu.memory_space<vmem>> -> memref<64xi32, #tpu.memory_space<vmem>>
    %dma_start3A_120 = arith.constant 0 : i32
    %dma_start3A_121 = arith.constant 0 : i32
    %dma_start3A_122 = tpu.memref_slice %arg3[%dma_start3A_120, %dma_start3A_121] : memref<100000x128xf32, #tpu.memory_space<hbm>> -> memref<100000x128xf32, #tpu.memory_space<hbm>>
    %dma_start3A_123 = tpu.memref_slice %arg9[%dma_start3A_113] : memref<4x!tpu.dma_semaphore, #tpu.memory_space<semaphore_mem>> -> memref<1x!tpu.dma_semaphore, #tpu.memory_space<semaphore_mem>>
    %dma_start3A_124 = tpu.memref_squeeze %dma_start3A_123 : memref<1x!tpu.dma_semaphore, #tpu.memory_space<semaphore_mem>> -> memref<!tpu.dma_semaphore, #tpu.memory_space<semaphore_mem>>
    tpu.enqueue_indirect_dma source(%dma_start3A_122 : memref<100000x128xf32, #tpu.memory_space<hbm>>) target(%dma_start3A_116 : memref<64x128xf32, #tpu.memory_space<vmem>>) offsets(%dma_start3A_119 : memref<64xi32, #tpu.memory_space<vmem>>) semaphore(%dma_start3A_124 : memref<!tpu.dma_semaphore, #tpu.memory_space<semaphore_mem>>)
    %iota3A = tpu.iota {dimensions = array<i32: 0>} : vector<16xi32>
    %broadcast_in_dim3A = arith.constant 1048576 : i32
    %broadcast_in_dim3A_125 = vector.broadcast %broadcast_in_dim3A : i32 to vector<16xi32>
    %scan3A = arith.constant 0 : i32
    %scan3A_126 = arith.constant 16 : i32
    %scan3A_127 = arith.addi %scan3A, %scan3A_126 : i32
    %scan3A_128 = arith.constant 1 : i32
    %scan3A_129 = scf.for %scan3A_398 = %scan3A to %scan3A_127 step %scan3A_128 iter_args(%scan3A_399 = %broadcast_in_dim3A_125) -> (vector<16xi32>)  : i32 {
      %mul3A_400 = arith.constant 16 : i32
      %mul3A_401 = arith.muli %scan3A_398, %mul3A_400 : i32
      %get3A_402 = arith.index_cast %select_n3A : i32 to index
      %get3A_403 = arith.index_cast %mul3A_401 : i32 to index
      %get3A_404 = tpu.vector_load %arg6[%get3A_402, %get3A_403] {strides = array<i32>} : memref<4x384xi32, #tpu.memory_space<vmem>>, vector<16xi32>,
      %eq3A_405 = arith.constant 0 : i32
      %eq3A_406 = vector.broadcast %eq3A_405 : i32 to vector<16xi32>
      %eq3A_407 = arith.cmpi eq, %get3A_404, %eq3A_406 : vector<16xi32>
      %all_reduce_population_count3A_408 = tpu.all_reduce %eq3A_407 {dim = 0 : i64, kind = #tpu.reduction_kind<sum>} : vector<16xi1> -> vector<16xi32>
      %all_reduce_ffs3A_409 = tpu.all_reduce %eq3A_407 {dim = 0 : i64, kind = #tpu.reduction_kind<find_first_set>} : vector<16xi1> -> vector<16xi32>
      %gt3A_410 = arith.constant 0 : i32
      %gt3A_411 = vector.broadcast %gt3A_410 : i32 to vector<16xi32>
      %gt3A_412 = arith.cmpi sgt, %all_reduce_population_count3A_408, %gt3A_411 : vector<16xi32>
      %mul3A_413 = arith.constant 16 : i32
      %mul3A_414 = arith.muli %scan3A_398, %mul3A_413 : i32
      %add3A_415 = vector.broadcast %mul3A_414 : i32 to vector<16xi32>
      %add3A_416 = arith.addi %all_reduce_ffs3A_409, %add3A_415 : vector<16xi32>
      %jit3A_417 = arith.constant 1048576 : i32
      %broadcast_in_dim3A_418 = vector.broadcast %jit3A_417 : i32 to vector<16xi32>
      %select_n3A_419 = arith.select %gt3A_412, %add3A_416, %broadcast_in_dim3A_418 : vector<16xi1>, vector<16xi32>
      %min3A_420 = arith.minsi %scan3A_399, %select_n3A_419 : vector<16xi32>
      scf.yield %min3A_420 : vector<16xi32>
    }
    %scan3A_130 = arith.constant 16 : i32
    %dma_wait3A_131 = arith.constant 1 : i32
    %dma_wait3A_132 = arith.constant 0 : i32
    %dma_wait3A_133 = arith.constant 256 : i32
    %dma_wait3A_134 = tpu.memref_slice %arg6[%dma_wait3A_132, %dma_wait3A_133] : memref<4x384xi32, #tpu.memory_space<vmem>> -> memref<4x128xi32, #tpu.memory_space<vmem>>
    %dma_wait3A_135 = arith.constant 0 : i32
    %dma_wait3A_136 = tpu.memref_slice %arg2[%dma_wait3A_135, %multiple_of3A_39] : memref<4x2048xi32, #tpu.memory_space<hbm>> -> memref<4x128xi32, #tpu.memory_space<hbm>>
    %dma_wait3A_137 = tpu.memref_slice %arg11[%dma_wait3A_131] : memref<2x!tpu.dma_semaphore, #tpu.memory_space<semaphore_mem>> -> memref<1x!tpu.dma_semaphore, #tpu.memory_space<semaphore_mem>>
    %dma_wait3A_138 = tpu.memref_squeeze %dma_wait3A_137 : memref<1x!tpu.dma_semaphore, #tpu.memory_space<semaphore_mem>> -> memref<!tpu.dma_semaphore, #tpu.memory_space<semaphore_mem>>
    %dma_wait3A_139 = arith.constant 0 : i32
    %dma_wait3A_140 = arith.constant 256 : i32
    %dma_wait3A_141 = tpu.memref_slice %arg6[%dma_wait3A_139, %dma_wait3A_140] : memref<4x384xi32, #tpu.memory_space<vmem>> -> memref<4x128xi32, #tpu.memory_space<vmem>>
    %dma_wait3A_142 = arith.constant 0 : i32
    %dma_wait3A_143 = tpu.memref_slice %arg2[%dma_wait3A_142, %multiple_of3A_39] : memref<4x2048xi32, #tpu.memory_space<hbm>> -> memref<4x128xi32, #tpu.memory_space<hbm>>
    tpu.wait_dma2 semaphore(%dma_wait3A_138 : memref<!tpu.dma_semaphore, #tpu.memory_space<semaphore_mem>>) src(%dma_wait3A_143 : memref<4x128xi32, #tpu.memory_space<hbm>>) dst(%dma_wait3A_141 : memref<4x128xi32, #tpu.memory_space<vmem>>)
    %add3A_144 = arith.constant 1 : i32
    %add3A_145 = arith.addi %select_n3A, %add3A_144 : i32
    %min3A = arith.constant 3 : i32
    %min3A_146 = arith.minsi %add3A_145, %min3A : i32
    %select_n3A_147 = arith.select %eq3A_34, %min3A_146, %select_n3A : i32
    %get3A = arith.index_cast %select_n3A_147 : i32 to index
    %get3A_148 = arith.constant 256 : index
    %get3A_149 = tpu.vector_load %arg6[%get3A, %get3A_148] {strides = array<i32>} : memref<4x384xi32, #tpu.memory_space<vmem>>, vector<16xi32>,
    %eq3A_150 = arith.constant 0 : i32
    %eq3A_151 = vector.broadcast %eq3A_150 : i32 to vector<16xi32>
    %eq3A_152 = arith.cmpi eq, %get3A_149, %eq3A_151 : vector<16xi32>
    %lt3A_153 = arith.constant 10 : i32
    %lt3A_154 = vector.broadcast %lt3A_153 : i32 to vector<16xi32>
    %lt3A_155 = arith.cmpi slt, %iota3A, %lt3A_154 : vector<16xi32>
    %and3A_156 = arith.andi %eq3A_152, %lt3A_155 : vector<16xi1>
    %lt3A_157 = arith.constant 31 : i32
    %lt3A_158 = arith.cmpi slt, %add3A, %lt3A_157 : i32
    %and3A_159 = vector.broadcast %lt3A_158 : i1 to vector<16xi1>
    %and3A_160 = arith.andi %and3A_156, %and3A_159 : vector<16xi1>
    %all_reduce_population_count3A = tpu.all_reduce %and3A_160 {dim = 0 : i64, kind = #tpu.reduction_kind<sum>} : vector<16xi1> -> vector<16xi32>
    %all_reduce_ffs3A = tpu.all_reduce %and3A_160 {dim = 0 : i64, kind = #tpu.reduction_kind<find_first_set>} : vector<16xi1> -> vector<16xi32>
    %gt3A = arith.constant 0 : i32
    %gt3A_161 = vector.broadcast %gt3A : i32 to vector<16xi32>
    %gt3A_162 = arith.cmpi sgt, %all_reduce_population_count3A, %gt3A_161 : vector<16xi32>
    %add3A_163 = arith.constant 256 : i32
    %add3A_164 = vector.broadcast %add3A_163 : i32 to vector<16xi32>
    %add3A_165 = arith.addi %all_reduce_ffs3A, %add3A_164 : vector<16xi32>
    %jit3A_166 = arith.constant 1048576 : i32
    %broadcast_in_dim3A_167 = vector.broadcast %jit3A_166 : i32 to vector<16xi32>
    %select_n3A_168 = arith.select %gt3A_162, %add3A_165, %broadcast_in_dim3A_167 : vector<16xi1>, vector<16xi32>
    %min3A_169 = arith.minsi %scan3A_129, %select_n3A_168 : vector<16xi32>
    %reduce_min3A = arith.constant true
    %reduce_min3A_170 = vector.broadcast %reduce_min3A : i1 to vector<16xi1>
    %reduce_min3A_171 = arith.constant -2147483648 : i32
    %reduce_min3A_172 = vector.broadcast %reduce_min3A_171 : i32 to vector<16xi32>
    %reduce_min3A_173 = arith.xori %min3A_169, %reduce_min3A_172 : vector<16xi32>
    %reduce_min3A_174 = tpu.scan <min>, %reduce_min3A_173 masked %reduce_min3A_170 : vector<16xi32>, vector<16xi1> -> vector<16xi32>
    %reduce_min3A_175 = arith.xori %reduce_min3A_174, %reduce_min3A_172 : vector<16xi32>
    %reduce_min3A_176 = vector.extract %reduce_min3A_175[15] : i32 from vector<16xi32>
    %sub3A_177 = arith.constant 10 : i32
    %sub3A_178 = arith.subi %reduce_min3A_176, %sub3A_177 : i32
    %lt3A_179 = arith.constant 256 : i32
    %lt3A_180 = arith.cmpi slt, %sub3A_178, %lt3A_179 : i32
    %convert_element_type3A = arith.extui %lt3A_180 : i1 to i32
    %cond3A = arith.constant 0 : i32
    %cond3A_181 = arith.cmpi ne, %convert_element_type3A, %cond3A : i32
    scf.if %cond3A_181 {
      "tpu.region"() ({
        %run_scoped3A = tpu.sem_alloc : memref<!tpu.dma_semaphore, #tpu.memory_space<semaphore_mem>>
        tpu.enqueue_dma source(%arg4 : memref<1280xf32, #tpu.memory_space<hbm>>) target(%arg7 : memref<1280xf32, #tpu.memory_space<vmem>>) target_semaphore(%run_scoped3A : memref<!tpu.dma_semaphore, #tpu.memory_space<semaphore_mem>>)
        tpu.wait_dma2 semaphore(%run_scoped3A : memref<!tpu.dma_semaphore, #tpu.memory_space<semaphore_mem>>) src(%arg4 : memref<1280xf32, #tpu.memory_space<hbm>>) dst(%arg7 : memref<1280xf32, #tpu.memory_space<vmem>>)
        tpu.yield
      }) : () -> ()
    } else {
    }
    %dma_wait3A_182 = arith.constant 0 : i32
    %dma_wait3A_183 = arith.constant 0 : i32
    %dma_wait3A_184 = arith.constant 0 : i32
    %dma_wait3A_185 = tpu.memref_slice %arg8[%dma_wait3A_183, %dma_wait3A_184] : memref<256x128xf32, #tpu.memory_space<vmem>> -> memref<64x128xf32, #tpu.memory_space<vmem>>
    %dma_wait3A_186 = arith.constant 0 : i32
    %dma_wait3A_187 = tpu.memref_slice %arg6[%select_n3A, %dma_wait3A_186] : memref<4x384xi32, #tpu.memory_space<vmem>> -> memref<1x64xi32, #tpu.memory_space<vmem>>
    %dma_wait3A_188 = tpu.memref_squeeze %dma_wait3A_187 : memref<1x64xi32, #tpu.memory_space<vmem>> -> memref<64xi32, #tpu.memory_space<vmem>>
    %dma_wait3A_189 = arith.constant 0 : i32
    %dma_wait3A_190 = arith.constant 0 : i32
    %dma_wait3A_191 = tpu.memref_slice %arg3[%dma_wait3A_189, %dma_wait3A_190] : memref<100000x128xf32, #tpu.memory_space<hbm>> -> memref<100000x128xf32, #tpu.memory_space<hbm>>
    %dma_wait3A_192 = tpu.memref_slice %arg9[%dma_wait3A_182] : memref<4x!tpu.dma_semaphore, #tpu.memory_space<semaphore_mem>> -> memref<1x!tpu.dma_semaphore, #tpu.memory_space<semaphore_mem>>
    %dma_wait3A_193 = tpu.memref_squeeze %dma_wait3A_192 : memref<1x!tpu.dma_semaphore, #tpu.memory_space<semaphore_mem>> -> memref<!tpu.dma_semaphore, #tpu.memory_space<semaphore_mem>>
    tpu.wait_indirect_dma semaphore(%dma_wait3A_193 : memref<!tpu.dma_semaphore, #tpu.memory_space<semaphore_mem>>) src(%dma_wait3A_191 : memref<100000x128xf32, #tpu.memory_space<hbm>>) dst(%dma_wait3A_185 : memref<64x128xf32, #tpu.memory_space<vmem>>)
    %sub3A_194 = arith.constant 10 : i32
    %sub3A_195 = arith.subi %reduce_min3A_176, %sub3A_194 : i32
    %lt3A_196 = arith.constant 64 : i32
    %lt3A_197 = arith.cmpi slt, %sub3A_195, %lt3A_196 : i32
    %gt3A_198 = arith.constant 0 : i32
    %gt3A_199 = arith.cmpi sgt, %reduce_min3A_176, %gt3A_198 : i32
    %and3A_200 = arith.andi %lt3A_197, %gt3A_199 : i1
    %convert_element_type3A_201 = arith.extui %and3A_200 : i1 to i32
    %cond3A_202 = arith.constant 0 : i32
    %cond3A_203 = arith.cmpi ne, %convert_element_type3A_201, %cond3A_202 : i32
    scf.if %cond3A_203 {
      %scan3A_398 = arith.constant 0 : i32
      %scan3A_399 = arith.constant 0 : i32
      %scan3A_400 = arith.constant 10 : i32
      %scan3A_401 = arith.addi %scan3A_399, %scan3A_400 : i32
      %scan3A_402 = arith.constant 1 : i32
      scf.for %scan3A_404 = %scan3A_399 to %scan3A_401 step %scan3A_402  : i32 {
        %sub3A_405 = arith.constant 10 : i32
        %sub3A_406 = arith.subi %sub3A_405, %scan3A_404 : i32
        %sub3A_407 = vector.broadcast %sub3A_406 : i32 to vector<16xi32>
        %sub3A_408 = arith.subi %min3A_169, %sub3A_407 : vector<16xi32>
        %ge3A = arith.constant 0 : i32
        %ge3A_409 = vector.broadcast %ge3A : i32 to vector<16xi32>
        %ge3A_410 = arith.cmpi sge, %sub3A_408, %ge3A_409 : vector<16xi32>
        %lt3A_411 = arith.constant 64 : i32
        %lt3A_412 = vector.broadcast %lt3A_411 : i32 to vector<16xi32>
        %lt3A_413 = arith.cmpi slt, %sub3A_408, %lt3A_412 : vector<16xi32>
        %and3A_414 = arith.andi %ge3A_410, %lt3A_413 : vector<16xi1>
        %add3A_415 = arith.constant 0 : i32
        %add3A_416 = vector.broadcast %add3A_415 : i32 to vector<16xi32>
        %add3A_417 = arith.addi %iota3A, %add3A_416 : vector<16xi32>
        %mul3A_418 = arith.constant 128 : i32
        %mul3A_419 = arith.muli %scan3A_404, %mul3A_418 : i32
        %add3A_420 = arith.constant 0 : i32
        %add3A_421 = arith.addi %mul3A_419, %add3A_420 : i32
        %get3A_422 = arith.index_cast %add3A_421 : i32 to index
        %get3A_423 = tpu.vector_load %arg7[%get3A_422] {strides = array<i32>} : memref<1280xf32, #tpu.memory_space<vmem>>, vector<16xf32>,
        tpu.vector_store_idx %arg8[%sub3A_408, %add3A_417], %get3A_423 masked %and3A_414 : memref<256x128xf32, #tpu.memory_space<vmem>>[vector<16xi32>, vector<16xi32>], vector<16xf32>, vector<16xi1>
        %add3A_424 = arith.constant 16 : i32
        %add3A_425 = vector.broadcast %add3A_424 : i32 to vector<16xi32>
        %add3A_426 = arith.addi %iota3A, %add3A_425 : vector<16xi32>
        %mul3A_427 = arith.constant 128 : i32
        %mul3A_428 = arith.muli %scan3A_404, %mul3A_427 : i32
        %add3A_429 = arith.constant 16 : i32
        %add3A_430 = arith.addi %mul3A_428, %add3A_429 : i32
        %get3A_431 = arith.index_cast %add3A_430 : i32 to index
        %get3A_432 = tpu.vector_load %arg7[%get3A_431] {strides = array<i32>} : memref<1280xf32, #tpu.memory_space<vmem>>, vector<16xf32>,
        tpu.vector_store_idx %arg8[%sub3A_408, %add3A_426], %get3A_432 masked %and3A_414 : memref<256x128xf32, #tpu.memory_space<vmem>>[vector<16xi32>, vector<16xi32>], vector<16xf32>, vector<16xi1>
        %add3A_433 = arith.constant 32 : i32
        %add3A_434 = vector.broadcast %add3A_433 : i32 to vector<16xi32>
        %add3A_435 = arith.addi %iota3A, %add3A_434 : vector<16xi32>
        %mul3A_436 = arith.constant 128 : i32
        %mul3A_437 = arith.muli %scan3A_404, %mul3A_436 : i32
        %add3A_438 = arith.constant 32 : i32
        %add3A_439 = arith.addi %mul3A_437, %add3A_438 : i32
        %get3A_440 = arith.index_cast %add3A_439 : i32 to index
        %get3A_441 = tpu.vector_load %arg7[%get3A_440] {strides = array<i32>} : memref<1280xf32, #tpu.memory_space<vmem>>, vector<16xf32>,
        tpu.vector_store_idx %arg8[%sub3A_408, %add3A_435], %get3A_441 masked %and3A_414 : memref<256x128xf32, #tpu.memory_space<vmem>>[vector<16xi32>, vector<16xi32>], vector<16xf32>, vector<16xi1>
        %add3A_442 = arith.constant 48 : i32
        %add3A_443 = vector.broadcast %add3A_442 : i32 to vector<16xi32>
        %add3A_444 = arith.addi %iota3A, %add3A_443 : vector<16xi32>
        %mul3A_445 = arith.constant 128 : i32
        %mul3A_446 = arith.muli %scan3A_404, %mul3A_445 : i32
        %add3A_447 = arith.constant 48 : i32
        %add3A_448 = arith.addi %mul3A_446, %add3A_447 : i32
        %get3A_449 = arith.index_cast %add3A_448 : i32 to index
        %get3A_450 = tpu.vector_load %arg7[%get3A_449] {strides = array<i32>} : memref<1280xf32, #tpu.memory_space<vmem>>, vector<16xf32>,
        tpu.vector_store_idx %arg8[%sub3A_408, %add3A_444], %get3A_450 masked %and3A_414 : memref<256x128xf32, #tpu.memory_space<vmem>>[vector<16xi32>, vector<16xi32>], vector<16xf32>, vector<16xi1>
        %add3A_451 = arith.constant 64 : i32
        %add3A_452 = vector.broadcast %add3A_451 : i32 to vector<16xi32>
        %add3A_453 = arith.addi %iota3A, %add3A_452 : vector<16xi32>
        %mul3A_454 = arith.constant 128 : i32
        %mul3A_455 = arith.muli %scan3A_404, %mul3A_454 : i32
        %add3A_456 = arith.constant 64 : i32
        %add3A_457 = arith.addi %mul3A_455, %add3A_456 : i32
        %get3A_458 = arith.index_cast %add3A_457 : i32 to index
        %get3A_459 = tpu.vector_load %arg7[%get3A_458] {strides = array<i32>} : memref<1280xf32, #tpu.memory_space<vmem>>, vector<16xf32>,
        tpu.vector_store_idx %arg8[%sub3A_408, %add3A_453], %get3A_459 masked %and3A_414 : memref<256x128xf32, #tpu.memory_space<vmem>>[vector<16xi32>, vector<16xi32>], vector<16xf32>, vector<16xi1>
        %add3A_460 = arith.constant 80 : i32
        %add3A_461 = vector.broadcast %add3A_460 : i32 to vector<16xi32>
        %add3A_462 = arith.addi %iota3A, %add3A_461 : vector<16xi32>
        %mul3A_463 = arith.constant 128 : i32
        %mul3A_464 = arith.muli %scan3A_404, %mul3A_463 : i32
        %add3A_465 = arith.constant 80 : i32
        %add3A_466 = arith.addi %mul3A_464, %add3A_465 : i32
        %get3A_467 = arith.index_cast %add3A_466 : i32 to index
        %get3A_468 = tpu.vector_load %arg7[%get3A_467] {strides = array<i32>} : memref<1280xf32, #tpu.memory_space<vmem>>, vector<16xf32>,
        tpu.vector_store_idx %arg8[%sub3A_408, %add3A_462], %get3A_468 masked %and3A_414 : memref<256x128xf32, #tpu.memory_space<vmem>>[vector<16xi32>, vector<16xi32>], vector<16xf32>, vector<16xi1>
        %add3A_469 = arith.constant 96 : i32
        %add3A_470 = vector.broadcast %add3A_469 : i32 to vector<16xi32>
        %add3A_471 = arith.addi %iota3A, %add3A_470 : vector<16xi32>
        %mul3A_472 = arith.constant 128 : i32
        %mul3A_473 = arith.muli %scan3A_404, %mul3A_472 : i32
        %add3A_474 = arith.constant 96 : i32
        %add3A_475 = arith.addi %mul3A_473, %add3A_474 : i32
        %get3A_476 = arith.index_cast %add3A_475 : i32 to index
        %get3A_477 = tpu.vector_load %arg7[%get3A_476] {strides = array<i32>} : memref<1280xf32, #tpu.memory_space<vmem>>, vector<16xf32>,
        tpu.vector_store_idx %arg8[%sub3A_408, %add3A_471], %get3A_477 masked %and3A_414 : memref<256x128xf32, #tpu.memory_space<vmem>>[vector<16xi32>, vector<16xi32>], vector<16xf32>, vector<16xi1>
        %add3A_478 = arith.constant 112 : i32
        %add3A_479 = vector.broadcast %add3A_478 : i32 to vector<16xi32>
        %add3A_480 = arith.addi %iota3A, %add3A_479 : vector<16xi32>
        %mul3A_481 = arith.constant 128 : i32
        %mul3A_482 = arith.muli %scan3A_404, %mul3A_481 : i32
        %add3A_483 = arith.constant 112 : i32
        %add3A_484 = arith.addi %mul3A_482, %add3A_483 : i32
        %get3A_485 = arith.index_cast %add3A_484 : i32 to index
        %get3A_486 = tpu.vector_load %arg7[%get3A_485] {strides = array<i32>} : memref<1280xf32, #tpu.memory_space<vmem>>, vector<16xf32>,
        tpu.vector_store_idx %arg8[%sub3A_408, %add3A_480], %get3A_486 masked %and3A_414 : memref<256x128xf32, #tpu.memory_space<vmem>>[vector<16xi32>, vector<16xi32>], vector<16xf32>, vector<16xi1>
      }
      %scan3A_403 = arith.constant 10 : i32
    } else {
    }
    %add3A_204 = arith.constant 0 : i32
    %add3A_205 = arith.addi %multiple_of3A, %add3A_204 : i32
    %dma_start3A_206 = arith.constant 0 : i32
    %dma_start3A_207 = arith.constant 0 : i32
    %dma_start3A_208 = arith.constant 0 : i32
    %dma_start3A_209 = tpu.memref_slice %arg8[%dma_start3A_207, %dma_start3A_208] : memref<256x128xf32, #tpu.memory_space<vmem>> -> memref<64x128xf32, #tpu.memory_space<vmem>>
    %dma_start3A_210 = arith.constant 0 : i32
    %dma_start3A_211 = tpu.memref_slice %arg5[%select_n3A, %add3A_205, %dma_start3A_210] : memref<4x2048x128xf32, #tpu.memory_space<hbm>> -> memref<1x64x128xf32, #tpu.memory_space<hbm>>
    %dma_start3A_212 = tpu.memref_squeeze %dma_start3A_211 : memref<1x64x128xf32, #tpu.memory_space<hbm>> -> memref<64x128xf32, #tpu.memory_space<hbm>>
    %dma_start3A_213 = tpu.memref_slice %arg10[%dma_start3A_206] : memref<4x!tpu.dma_semaphore, #tpu.memory_space<semaphore_mem>> -> memref<1x!tpu.dma_semaphore, #tpu.memory_space<semaphore_mem>>
    %dma_start3A_214 = tpu.memref_squeeze %dma_start3A_213 : memref<1x!tpu.dma_semaphore, #tpu.memory_space<semaphore_mem>> -> memref<!tpu.dma_semaphore, #tpu.memory_space<semaphore_mem>>
    %dma_start3A_215 = arith.constant 0 : i32
    %dma_start3A_216 = tpu.memref_slice %arg5[%select_n3A, %add3A_205, %dma_start3A_215] : memref<4x2048x128xf32, #tpu.memory_space<hbm>> -> memref<1x64x128xf32, #tpu.memory_space<hbm>>
    %dma_start3A_217 = tpu.memref_squeeze %dma_start3A_216 : memref<1x64x128xf32, #tpu.memory_space<hbm>> -> memref<64x128xf32, #tpu.memory_space<hbm>>
    %dma_start3A_218 = arith.constant 0 : i32
    %dma_start3A_219 = arith.constant 0 : i32
    %dma_start3A_220 = tpu.memref_slice %arg8[%dma_start3A_218, %dma_start3A_219] : memref<256x128xf32, #tpu.memory_space<vmem>> -> memref<64x128xf32, #tpu.memory_space<vmem>>
    tpu.enqueue_dma source(%dma_start3A_220 : memref<64x128xf32, #tpu.memory_space<vmem>>) target(%dma_start3A_217 : memref<64x128xf32, #tpu.memory_space<hbm>>) target_semaphore(%dma_start3A_214 : memref<!tpu.dma_semaphore, #tpu.memory_space<semaphore_mem>>)
    %dma_wait3A_221 = arith.constant 1 : i32
    %dma_wait3A_222 = arith.constant 64 : i32
    %dma_wait3A_223 = arith.constant 0 : i32
    %dma_wait3A_224 = tpu.memref_slice %arg8[%dma_wait3A_222, %dma_wait3A_223] : memref<256x128xf32, #tpu.memory_space<vmem>> -> memref<64x128xf32, #tpu.memory_space<vmem>>
    %dma_wait3A_225 = arith.constant 64 : i32
    %dma_wait3A_226 = tpu.memref_slice %arg6[%select_n3A, %dma_wait3A_225] : memref<4x384xi32, #tpu.memory_space<vmem>> -> memref<1x64xi32, #tpu.memory_space<vmem>>
    %dma_wait3A_227 = tpu.memref_squeeze %dma_wait3A_226 : memref<1x64xi32, #tpu.memory_space<vmem>> -> memref<64xi32, #tpu.memory_space<vmem>>
    %dma_wait3A_228 = arith.constant 0 : i32
    %dma_wait3A_229 = arith.constant 0 : i32
    %dma_wait3A_230 = tpu.memref_slice %arg3[%dma_wait3A_228, %dma_wait3A_229] : memref<100000x128xf32, #tpu.memory_space<hbm>> -> memref<100000x128xf32, #tpu.memory_space<hbm>>
    %dma_wait3A_231 = tpu.memref_slice %arg9[%dma_wait3A_221] : memref<4x!tpu.dma_semaphore, #tpu.memory_space<semaphore_mem>> -> memref<1x!tpu.dma_semaphore, #tpu.memory_space<semaphore_mem>>
    %dma_wait3A_232 = tpu.memref_squeeze %dma_wait3A_231 : memref<1x!tpu.dma_semaphore, #tpu.memory_space<semaphore_mem>> -> memref<!tpu.dma_semaphore, #tpu.memory_space<semaphore_mem>>
    tpu.wait_indirect_dma semaphore(%dma_wait3A_232 : memref<!tpu.dma_semaphore, #tpu.memory_space<semaphore_mem>>) src(%dma_wait3A_230 : memref<100000x128xf32, #tpu.memory_space<hbm>>) dst(%dma_wait3A_224 : memref<64x128xf32, #tpu.memory_space<vmem>>)
    %sub3A_233 = arith.constant 10 : i32
    %sub3A_234 = arith.subi %reduce_min3A_176, %sub3A_233 : i32
    %lt3A_235 = arith.constant 128 : i32
    %lt3A_236 = arith.cmpi slt, %sub3A_234, %lt3A_235 : i32
    %gt3A_237 = arith.constant 64 : i32
    %gt3A_238 = arith.cmpi sgt, %reduce_min3A_176, %gt3A_237 : i32
    %and3A_239 = arith.andi %lt3A_236, %gt3A_238 : i1
    %convert_element_type3A_240 = arith.extui %and3A_239 : i1 to i32
    %cond3A_241 = arith.constant 0 : i32
    %cond3A_242 = arith.cmpi ne, %convert_element_type3A_240, %cond3A_241 : i32
    scf.if %cond3A_242 {
      %scan3A_398 = arith.constant 0 : i32
      %scan3A_399 = arith.constant 0 : i32
      %scan3A_400 = arith.constant 10 : i32
      %scan3A_401 = arith.addi %scan3A_399, %scan3A_400 : i32
      %scan3A_402 = arith.constant 1 : i32
      scf.for %scan3A_404 = %scan3A_399 to %scan3A_401 step %scan3A_402  : i32 {
        %sub3A_405 = arith.constant 10 : i32
        %sub3A_406 = arith.subi %sub3A_405, %scan3A_404 : i32
        %sub3A_407 = vector.broadcast %sub3A_406 : i32 to vector<16xi32>
        %sub3A_408 = arith.subi %min3A_169, %sub3A_407 : vector<16xi32>
        %ge3A = arith.constant 64 : i32
        %ge3A_409 = vector.broadcast %ge3A : i32 to vector<16xi32>
        %ge3A_410 = arith.cmpi sge, %sub3A_408, %ge3A_409 : vector<16xi32>
        %lt3A_411 = arith.constant 128 : i32
        %lt3A_412 = vector.broadcast %lt3A_411 : i32 to vector<16xi32>
        %lt3A_413 = arith.cmpi slt, %sub3A_408, %lt3A_412 : vector<16xi32>
        %and3A_414 = arith.andi %ge3A_410, %lt3A_413 : vector<16xi1>
        %add3A_415 = arith.constant 0 : i32
        %add3A_416 = vector.broadcast %add3A_415 : i32 to vector<16xi32>
        %add3A_417 = arith.addi %iota3A, %add3A_416 : vector<16xi32>
        %mul3A_418 = arith.constant 128 : i32
        %mul3A_419 = arith.muli %scan3A_404, %mul3A_418 : i32
        %add3A_420 = arith.constant 0 : i32
        %add3A_421 = arith.addi %mul3A_419, %add3A_420 : i32
        %get3A_422 = arith.index_cast %add3A_421 : i32 to index
        %get3A_423 = tpu.vector_load %arg7[%get3A_422] {strides = array<i32>} : memref<1280xf32, #tpu.memory_space<vmem>>, vector<16xf32>,
        tpu.vector_store_idx %arg8[%sub3A_408, %add3A_417], %get3A_423 masked %and3A_414 : memref<256x128xf32, #tpu.memory_space<vmem>>[vector<16xi32>, vector<16xi32>], vector<16xf32>, vector<16xi1>
        %add3A_424 = arith.constant 16 : i32
        %add3A_425 = vector.broadcast %add3A_424 : i32 to vector<16xi32>
        %add3A_426 = arith.addi %iota3A, %add3A_425 : vector<16xi32>
        %mul3A_427 = arith.constant 128 : i32
        %mul3A_428 = arith.muli %scan3A_404, %mul3A_427 : i32
        %add3A_429 = arith.constant 16 : i32
        %add3A_430 = arith.addi %mul3A_428, %add3A_429 : i32
        %get3A_431 = arith.index_cast %add3A_430 : i32 to index
        %get3A_432 = tpu.vector_load %arg7[%get3A_431] {strides = array<i32>} : memref<1280xf32, #tpu.memory_space<vmem>>, vector<16xf32>,
        tpu.vector_store_idx %arg8[%sub3A_408, %add3A_426], %get3A_432 masked %and3A_414 : memref<256x128xf32, #tpu.memory_space<vmem>>[vector<16xi32>, vector<16xi32>], vector<16xf32>, vector<16xi1>
        %add3A_433 = arith.constant 32 : i32
        %add3A_434 = vector.broadcast %add3A_433 : i32 to vector<16xi32>
        %add3A_435 = arith.addi %iota3A, %add3A_434 : vector<16xi32>
        %mul3A_436 = arith.constant 128 : i32
        %mul3A_437 = arith.muli %scan3A_404, %mul3A_436 : i32
        %add3A_438 = arith.constant 32 : i32
        %add3A_439 = arith.addi %mul3A_437, %add3A_438 : i32
        %get3A_440 = arith.index_cast %add3A_439 : i32 to index
        %get3A_441 = tpu.vector_load %arg7[%get3A_440] {strides = array<i32>} : memref<1280xf32, #tpu.memory_space<vmem>>, vector<16xf32>,
        tpu.vector_store_idx %arg8[%sub3A_408, %add3A_435], %get3A_441 masked %and3A_414 : memref<256x128xf32, #tpu.memory_space<vmem>>[vector<16xi32>, vector<16xi32>], vector<16xf32>, vector<16xi1>
        %add3A_442 = arith.constant 48 : i32
        %add3A_443 = vector.broadcast %add3A_442 : i32 to vector<16xi32>
        %add3A_444 = arith.addi %iota3A, %add3A_443 : vector<16xi32>
        %mul3A_445 = arith.constant 128 : i32
        %mul3A_446 = arith.muli %scan3A_404, %mul3A_445 : i32
        %add3A_447 = arith.constant 48 : i32
        %add3A_448 = arith.addi %mul3A_446, %add3A_447 : i32
        %get3A_449 = arith.index_cast %add3A_448 : i32 to index
        %get3A_450 = tpu.vector_load %arg7[%get3A_449] {strides = array<i32>} : memref<1280xf32, #tpu.memory_space<vmem>>, vector<16xf32>,
        tpu.vector_store_idx %arg8[%sub3A_408, %add3A_444], %get3A_450 masked %and3A_414 : memref<256x128xf32, #tpu.memory_space<vmem>>[vector<16xi32>, vector<16xi32>], vector<16xf32>, vector<16xi1>
        %add3A_451 = arith.constant 64 : i32
        %add3A_452 = vector.broadcast %add3A_451 : i32 to vector<16xi32>
        %add3A_453 = arith.addi %iota3A, %add3A_452 : vector<16xi32>
        %mul3A_454 = arith.constant 128 : i32
        %mul3A_455 = arith.muli %scan3A_404, %mul3A_454 : i32
        %add3A_456 = arith.constant 64 : i32
        %add3A_457 = arith.addi %mul3A_455, %add3A_456 : i32
        %get3A_458 = arith.index_cast %add3A_457 : i32 to index
        %get3A_459 = tpu.vector_load %arg7[%get3A_458] {strides = array<i32>} : memref<1280xf32, #tpu.memory_space<vmem>>, vector<16xf32>,
        tpu.vector_store_idx %arg8[%sub3A_408, %add3A_453], %get3A_459 masked %and3A_414 : memref<256x128xf32, #tpu.memory_space<vmem>>[vector<16xi32>, vector<16xi32>], vector<16xf32>, vector<16xi1>
        %add3A_460 = arith.constant 80 : i32
        %add3A_461 = vector.broadcast %add3A_460 : i32 to vector<16xi32>
        %add3A_462 = arith.addi %iota3A, %add3A_461 : vector<16xi32>
        %mul3A_463 = arith.constant 128 : i32
        %mul3A_464 = arith.muli %scan3A_404, %mul3A_463 : i32
        %add3A_465 = arith.constant 80 : i32
        %add3A_466 = arith.addi %mul3A_464, %add3A_465 : i32
        %get3A_467 = arith.index_cast %add3A_466 : i32 to index
        %get3A_468 = tpu.vector_load %arg7[%get3A_467] {strides = array<i32>} : memref<1280xf32, #tpu.memory_space<vmem>>, vector<16xf32>,
        tpu.vector_store_idx %arg8[%sub3A_408, %add3A_462], %get3A_468 masked %and3A_414 : memref<256x128xf32, #tpu.memory_space<vmem>>[vector<16xi32>, vector<16xi32>], vector<16xf32>, vector<16xi1>
        %add3A_469 = arith.constant 96 : i32
        %add3A_470 = vector.broadcast %add3A_469 : i32 to vector<16xi32>
        %add3A_471 = arith.addi %iota3A, %add3A_470 : vector<16xi32>
        %mul3A_472 = arith.constant 128 : i32
        %mul3A_473 = arith.muli %scan3A_404, %mul3A_472 : i32
        %add3A_474 = arith.constant 96 : i32
        %add3A_475 = arith.addi %mul3A_473, %add3A_474 : i32
        %get3A_476 = arith.index_cast %add3A_475 : i32 to index
        %get3A_477 = tpu.vector_load %arg7[%get3A_476] {strides = array<i32>} : memref<1280xf32, #tpu.memory_space<vmem>>, vector<16xf32>,
        tpu.vector_store_idx %arg8[%sub3A_408, %add3A_471], %get3A_477 masked %and3A_414 : memref<256x128xf32, #tpu.memory_space<vmem>>[vector<16xi32>, vector<16xi32>], vector<16xf32>, vector<16xi1>
        %add3A_478 = arith.constant 112 : i32
        %add3A_479 = vector.broadcast %add3A_478 : i32 to vector<16xi32>
        %add3A_480 = arith.addi %iota3A, %add3A_479 : vector<16xi32>
        %mul3A_481 = arith.constant 128 : i32
        %mul3A_482 = arith.muli %scan3A_404, %mul3A_481 : i32
        %add3A_483 = arith.constant 112 : i32
        %add3A_484 = arith.addi %mul3A_482, %add3A_483 : i32
        %get3A_485 = arith.index_cast %add3A_484 : i32 to index
        %get3A_486 = tpu.vector_load %arg7[%get3A_485] {strides = array<i32>} : memref<1280xf32, #tpu.memory_space<vmem>>, vector<16xf32>,
        tpu.vector_store_idx %arg8[%sub3A_408, %add3A_480], %get3A_486 masked %and3A_414 : memref<256x128xf32, #tpu.memory_space<vmem>>[vector<16xi32>, vector<16xi32>], vector<16xf32>, vector<16xi1>
      }
      %scan3A_403 = arith.constant 10 : i32
    } else {
    }
    %add3A_243 = arith.constant 64 : i32
    %add3A_244 = arith.addi %multiple_of3A, %add3A_243 : i32
    %dma_start3A_245 = arith.constant 1 : i32
    %dma_start3A_246 = arith.constant 64 : i32
    %dma_start3A_247 = arith.constant 0 : i32
    %dma_start3A_248 = tpu.memref_slice %arg8[%dma_start3A_246, %dma_start3A_247] : memref<256x128xf32, #tpu.memory_space<vmem>> -> memref<64x128xf32, #tpu.memory_space<vmem>>
    %dma_start3A_249 = arith.constant 0 : i32
    %dma_start3A_250 = tpu.memref_slice %arg5[%select_n3A, %add3A_244, %dma_start3A_249] : memref<4x2048x128xf32, #tpu.memory_space<hbm>> -> memref<1x64x128xf32, #tpu.memory_space<hbm>>
    %dma_start3A_251 = tpu.memref_squeeze %dma_start3A_250 : memref<1x64x128xf32, #tpu.memory_space<hbm>> -> memref<64x128xf32, #tpu.memory_space<hbm>>
    %dma_start3A_252 = tpu.memref_slice %arg10[%dma_start3A_245] : memref<4x!tpu.dma_semaphore, #tpu.memory_space<semaphore_mem>> -> memref<1x!tpu.dma_semaphore, #tpu.memory_space<semaphore_mem>>
    %dma_start3A_253 = tpu.memref_squeeze %dma_start3A_252 : memref<1x!tpu.dma_semaphore, #tpu.memory_space<semaphore_mem>> -> memref<!tpu.dma_semaphore, #tpu.memory_space<semaphore_mem>>
    %dma_start3A_254 = arith.constant 0 : i32
    %dma_start3A_255 = tpu.memref_slice %arg5[%select_n3A, %add3A_244, %dma_start3A_254] : memref<4x2048x128xf32, #tpu.memory_space<hbm>> -> memref<1x64x128xf32, #tpu.memory_space<hbm>>
    %dma_start3A_256 = tpu.memref_squeeze %dma_start3A_255 : memref<1x64x128xf32, #tpu.memory_space<hbm>> -> memref<64x128xf32, #tpu.memory_space<hbm>>
    %dma_start3A_257 = arith.constant 64 : i32
    %dma_start3A_258 = arith.constant 0 : i32
    %dma_start3A_259 = tpu.memref_slice %arg8[%dma_start3A_257, %dma_start3A_258] : memref<256x128xf32, #tpu.memory_space<vmem>> -> memref<64x128xf32, #tpu.memory_space<vmem>>
    tpu.enqueue_dma source(%dma_start3A_259 : memref<64x128xf32, #tpu.memory_space<vmem>>) target(%dma_start3A_256 : memref<64x128xf32, #tpu.memory_space<hbm>>) target_semaphore(%dma_start3A_253 : memref<!tpu.dma_semaphore, #tpu.memory_space<semaphore_mem>>)
    %dma_wait3A_260 = arith.constant 2 : i32
    %dma_wait3A_261 = arith.constant 128 : i32
    %dma_wait3A_262 = arith.constant 0 : i32
    %dma_wait3A_263 = tpu.memref_slice %arg8[%dma_wait3A_261, %dma_wait3A_262] : memref<256x128xf32, #tpu.memory_space<vmem>> -> memref<64x128xf32, #tpu.memory_space<vmem>>
    %dma_wait3A_264 = arith.constant 128 : i32
    %dma_wait3A_265 = tpu.memref_slice %arg6[%select_n3A, %dma_wait3A_264] : memref<4x384xi32, #tpu.memory_space<vmem>> -> memref<1x64xi32, #tpu.memory_space<vmem>>
    %dma_wait3A_266 = tpu.memref_squeeze %dma_wait3A_265 : memref<1x64xi32, #tpu.memory_space<vmem>> -> memref<64xi32, #tpu.memory_space<vmem>>
    %dma_wait3A_267 = arith.constant 0 : i32
    %dma_wait3A_268 = arith.constant 0 : i32
    %dma_wait3A_269 = tpu.memref_slice %arg3[%dma_wait3A_267, %dma_wait3A_268] : memref<100000x128xf32, #tpu.memory_space<hbm>> -> memref<100000x128xf32, #tpu.memory_space<hbm>>
    %dma_wait3A_270 = tpu.memref_slice %arg9[%dma_wait3A_260] : memref<4x!tpu.dma_semaphore, #tpu.memory_space<semaphore_mem>> -> memref<1x!tpu.dma_semaphore, #tpu.memory_space<semaphore_mem>>
    %dma_wait3A_271 = tpu.memref_squeeze %dma_wait3A_270 : memref<1x!tpu.dma_semaphore, #tpu.memory_space<semaphore_mem>> -> memref<!tpu.dma_semaphore, #tpu.memory_space<semaphore_mem>>
    tpu.wait_indirect_dma semaphore(%dma_wait3A_271 : memref<!tpu.dma_semaphore, #tpu.memory_space<semaphore_mem>>) src(%dma_wait3A_269 : memref<100000x128xf32, #tpu.memory_space<hbm>>) dst(%dma_wait3A_263 : memref<64x128xf32, #tpu.memory_space<vmem>>)
    %sub3A_272 = arith.constant 10 : i32
    %sub3A_273 = arith.subi %reduce_min3A_176, %sub3A_272 : i32
    %lt3A_274 = arith.constant 192 : i32
    %lt3A_275 = arith.cmpi slt, %sub3A_273, %lt3A_274 : i32
    %gt3A_276 = arith.constant 128 : i32
    %gt3A_277 = arith.cmpi sgt, %reduce_min3A_176, %gt3A_276 : i32
    %and3A_278 = arith.andi %lt3A_275, %gt3A_277 : i1
    %convert_element_type3A_279 = arith.extui %and3A_278 : i1 to i32
    %cond3A_280 = arith.constant 0 : i32
    %cond3A_281 = arith.cmpi ne, %convert_element_type3A_279, %cond3A_280 : i32
    scf.if %cond3A_281 {
      %scan3A_398 = arith.constant 0 : i32
      %scan3A_399 = arith.constant 0 : i32
      %scan3A_400 = arith.constant 10 : i32
      %scan3A_401 = arith.addi %scan3A_399, %scan3A_400 : i32
      %scan3A_402 = arith.constant 1 : i32
      scf.for %scan3A_404 = %scan3A_399 to %scan3A_401 step %scan3A_402  : i32 {
        %sub3A_405 = arith.constant 10 : i32
        %sub3A_406 = arith.subi %sub3A_405, %scan3A_404 : i32
        %sub3A_407 = vector.broadcast %sub3A_406 : i32 to vector<16xi32>
        %sub3A_408 = arith.subi %min3A_169, %sub3A_407 : vector<16xi32>
        %ge3A = arith.constant 128 : i32
        %ge3A_409 = vector.broadcast %ge3A : i32 to vector<16xi32>
        %ge3A_410 = arith.cmpi sge, %sub3A_408, %ge3A_409 : vector<16xi32>
        %lt3A_411 = arith.constant 192 : i32
        %lt3A_412 = vector.broadcast %lt3A_411 : i32 to vector<16xi32>
        %lt3A_413 = arith.cmpi slt, %sub3A_408, %lt3A_412 : vector<16xi32>
        %and3A_414 = arith.andi %ge3A_410, %lt3A_413 : vector<16xi1>
        %add3A_415 = arith.constant 0 : i32
        %add3A_416 = vector.broadcast %add3A_415 : i32 to vector<16xi32>
        %add3A_417 = arith.addi %iota3A, %add3A_416 : vector<16xi32>
        %mul3A_418 = arith.constant 128 : i32
        %mul3A_419 = arith.muli %scan3A_404, %mul3A_418 : i32
        %add3A_420 = arith.constant 0 : i32
        %add3A_421 = arith.addi %mul3A_419, %add3A_420 : i32
        %get3A_422 = arith.index_cast %add3A_421 : i32 to index
        %get3A_423 = tpu.vector_load %arg7[%get3A_422] {strides = array<i32>} : memref<1280xf32, #tpu.memory_space<vmem>>, vector<16xf32>,
        tpu.vector_store_idx %arg8[%sub3A_408, %add3A_417], %get3A_423 masked %and3A_414 : memref<256x128xf32, #tpu.memory_space<vmem>>[vector<16xi32>, vector<16xi32>], vector<16xf32>, vector<16xi1>
        %add3A_424 = arith.constant 16 : i32
        %add3A_425 = vector.broadcast %add3A_424 : i32 to vector<16xi32>
        %add3A_426 = arith.addi %iota3A, %add3A_425 : vector<16xi32>
        %mul3A_427 = arith.constant 128 : i32
        %mul3A_428 = arith.muli %scan3A_404, %mul3A_427 : i32
        %add3A_429 = arith.constant 16 : i32
        %add3A_430 = arith.addi %mul3A_428, %add3A_429 : i32
        %get3A_431 = arith.index_cast %add3A_430 : i32 to index
        %get3A_432 = tpu.vector_load %arg7[%get3A_431] {strides = array<i32>} : memref<1280xf32, #tpu.memory_space<vmem>>, vector<16xf32>,
        tpu.vector_store_idx %arg8[%sub3A_408, %add3A_426], %get3A_432 masked %and3A_414 : memref<256x128xf32, #tpu.memory_space<vmem>>[vector<16xi32>, vector<16xi32>], vector<16xf32>, vector<16xi1>
        %add3A_433 = arith.constant 32 : i32
        %add3A_434 = vector.broadcast %add3A_433 : i32 to vector<16xi32>
        %add3A_435 = arith.addi %iota3A, %add3A_434 : vector<16xi32>
        %mul3A_436 = arith.constant 128 : i32
        %mul3A_437 = arith.muli %scan3A_404, %mul3A_436 : i32
        %add3A_438 = arith.constant 32 : i32
        %add3A_439 = arith.addi %mul3A_437, %add3A_438 : i32
        %get3A_440 = arith.index_cast %add3A_439 : i32 to index
        %get3A_441 = tpu.vector_load %arg7[%get3A_440] {strides = array<i32>} : memref<1280xf32, #tpu.memory_space<vmem>>, vector<16xf32>,
        tpu.vector_store_idx %arg8[%sub3A_408, %add3A_435], %get3A_441 masked %and3A_414 : memref<256x128xf32, #tpu.memory_space<vmem>>[vector<16xi32>, vector<16xi32>], vector<16xf32>, vector<16xi1>
        %add3A_442 = arith.constant 48 : i32
        %add3A_443 = vector.broadcast %add3A_442 : i32 to vector<16xi32>
        %add3A_444 = arith.addi %iota3A, %add3A_443 : vector<16xi32>
        %mul3A_445 = arith.constant 128 : i32
        %mul3A_446 = arith.muli %scan3A_404, %mul3A_445 : i32
        %add3A_447 = arith.constant 48 : i32
        %add3A_448 = arith.addi %mul3A_446, %add3A_447 : i32
        %get3A_449 = arith.index_cast %add3A_448 : i32 to index
        %get3A_450 = tpu.vector_load %arg7[%get3A_449] {strides = array<i32>} : memref<1280xf32, #tpu.memory_space<vmem>>, vector<16xf32>,
        tpu.vector_store_idx %arg8[%sub3A_408, %add3A_444], %get3A_450 masked %and3A_414 : memref<256x128xf32, #tpu.memory_space<vmem>>[vector<16xi32>, vector<16xi32>], vector<16xf32>, vector<16xi1>
        %add3A_451 = arith.constant 64 : i32
        %add3A_452 = vector.broadcast %add3A_451 : i32 to vector<16xi32>
        %add3A_453 = arith.addi %iota3A, %add3A_452 : vector<16xi32>
        %mul3A_454 = arith.constant 128 : i32
        %mul3A_455 = arith.muli %scan3A_404, %mul3A_454 : i32
        %add3A_456 = arith.constant 64 : i32
        %add3A_457 = arith.addi %mul3A_455, %add3A_456 : i32
        %get3A_458 = arith.index_cast %add3A_457 : i32 to index
        %get3A_459 = tpu.vector_load %arg7[%get3A_458] {strides = array<i32>} : memref<1280xf32, #tpu.memory_space<vmem>>, vector<16xf32>,
        tpu.vector_store_idx %arg8[%sub3A_408, %add3A_453], %get3A_459 masked %and3A_414 : memref<256x128xf32, #tpu.memory_space<vmem>>[vector<16xi32>, vector<16xi32>], vector<16xf32>, vector<16xi1>
        %add3A_460 = arith.constant 80 : i32
        %add3A_461 = vector.broadcast %add3A_460 : i32 to vector<16xi32>
        %add3A_462 = arith.addi %iota3A, %add3A_461 : vector<16xi32>
        %mul3A_463 = arith.constant 128 : i32
        %mul3A_464 = arith.muli %scan3A_404, %mul3A_463 : i32
        %add3A_465 = arith.constant 80 : i32
        %add3A_466 = arith.addi %mul3A_464, %add3A_465 : i32
        %get3A_467 = arith.index_cast %add3A_466 : i32 to index
        %get3A_468 = tpu.vector_load %arg7[%get3A_467] {strides = array<i32>} : memref<1280xf32, #tpu.memory_space<vmem>>, vector<16xf32>,
        tpu.vector_store_idx %arg8[%sub3A_408, %add3A_462], %get3A_468 masked %and3A_414 : memref<256x128xf32, #tpu.memory_space<vmem>>[vector<16xi32>, vector<16xi32>], vector<16xf32>, vector<16xi1>
        %add3A_469 = arith.constant 96 : i32
        %add3A_470 = vector.broadcast %add3A_469 : i32 to vector<16xi32>
        %add3A_471 = arith.addi %iota3A, %add3A_470 : vector<16xi32>
        %mul3A_472 = arith.constant 128 : i32
        %mul3A_473 = arith.muli %scan3A_404, %mul3A_472 : i32
        %add3A_474 = arith.constant 96 : i32
        %add3A_475 = arith.addi %mul3A_473, %add3A_474 : i32
        %get3A_476 = arith.index_cast %add3A_475 : i32 to index
        %get3A_477 = tpu.vector_load %arg7[%get3A_476] {strides = array<i32>} : memref<1280xf32, #tpu.memory_space<vmem>>, vector<16xf32>,
        tpu.vector_store_idx %arg8[%sub3A_408, %add3A_471], %get3A_477 masked %and3A_414 : memref<256x128xf32, #tpu.memory_space<vmem>>[vector<16xi32>, vector<16xi32>], vector<16xf32>, vector<16xi1>
        %add3A_478 = arith.constant 112 : i32
        %add3A_479 = vector.broadcast %add3A_478 : i32 to vector<16xi32>
        %add3A_480 = arith.addi %iota3A, %add3A_479 : vector<16xi32>
        %mul3A_481 = arith.constant 128 : i32
        %mul3A_482 = arith.muli %scan3A_404, %mul3A_481 : i32
        %add3A_483 = arith.constant 112 : i32
        %add3A_484 = arith.addi %mul3A_482, %add3A_483 : i32
        %get3A_485 = arith.index_cast %add3A_484 : i32 to index
        %get3A_486 = tpu.vector_load %arg7[%get3A_485] {strides = array<i32>} : memref<1280xf32, #tpu.memory_space<vmem>>, vector<16xf32>,
        tpu.vector_store_idx %arg8[%sub3A_408, %add3A_480], %get3A_486 masked %and3A_414 : memref<256x128xf32, #tpu.memory_space<vmem>>[vector<16xi32>, vector<16xi32>], vector<16xf32>, vector<16xi1>
      }
      %scan3A_403 = arith.constant 10 : i32
    } else {
    }
    %add3A_282 = arith.constant 128 : i32
    %add3A_283 = arith.addi %multiple_of3A, %add3A_282 : i32
    %dma_start3A_284 = arith.constant 2 : i32
    %dma_start3A_285 = arith.constant 128 : i32
    %dma_start3A_286 = arith.constant 0 : i32
    %dma_start3A_287 = tpu.memref_slice %arg8[%dma_start3A_285, %dma_start3A_286] : memref<256x128xf32, #tpu.memory_space<vmem>> -> memref<64x128xf32, #tpu.memory_space<vmem>>
    %dma_start3A_288 = arith.constant 0 : i32
    %dma_start3A_289 = tpu.memref_slice %arg5[%select_n3A, %add3A_283, %dma_start3A_288] : memref<4x2048x128xf32, #tpu.memory_space<hbm>> -> memref<1x64x128xf32, #tpu.memory_space<hbm>>
    %dma_start3A_290 = tpu.memref_squeeze %dma_start3A_289 : memref<1x64x128xf32, #tpu.memory_space<hbm>> -> memref<64x128xf32, #tpu.memory_space<hbm>>
    %dma_start3A_291 = tpu.memref_slice %arg10[%dma_start3A_284] : memref<4x!tpu.dma_semaphore, #tpu.memory_space<semaphore_mem>> -> memref<1x!tpu.dma_semaphore, #tpu.memory_space<semaphore_mem>>
    %dma_start3A_292 = tpu.memref_squeeze %dma_start3A_291 : memref<1x!tpu.dma_semaphore, #tpu.memory_space<semaphore_mem>> -> memref<!tpu.dma_semaphore, #tpu.memory_space<semaphore_mem>>
    %dma_start3A_293 = arith.constant 0 : i32
    %dma_start3A_294 = tpu.memref_slice %arg5[%select_n3A, %add3A_283, %dma_start3A_293] : memref<4x2048x128xf32, #tpu.memory_space<hbm>> -> memref<1x64x128xf32, #tpu.memory_space<hbm>>
    %dma_start3A_295 = tpu.memref_squeeze %dma_start3A_294 : memref<1x64x128xf32, #tpu.memory_space<hbm>> -> memref<64x128xf32, #tpu.memory_space<hbm>>
    %dma_start3A_296 = arith.constant 128 : i32
    %dma_start3A_297 = arith.constant 0 : i32
    %dma_start3A_298 = tpu.memref_slice %arg8[%dma_start3A_296, %dma_start3A_297] : memref<256x128xf32, #tpu.memory_space<vmem>> -> memref<64x128xf32, #tpu.memory_space<vmem>>
    tpu.enqueue_dma source(%dma_start3A_298 : memref<64x128xf32, #tpu.memory_space<vmem>>) target(%dma_start3A_295 : memref<64x128xf32, #tpu.memory_space<hbm>>) target_semaphore(%dma_start3A_292 : memref<!tpu.dma_semaphore, #tpu.memory_space<semaphore_mem>>)
    %dma_wait3A_299 = arith.constant 3 : i32
    %dma_wait3A_300 = arith.constant 192 : i32
    %dma_wait3A_301 = arith.constant 0 : i32
    %dma_wait3A_302 = tpu.memref_slice %arg8[%dma_wait3A_300, %dma_wait3A_301] : memref<256x128xf32, #tpu.memory_space<vmem>> -> memref<64x128xf32, #tpu.memory_space<vmem>>
    %dma_wait3A_303 = arith.constant 192 : i32
    %dma_wait3A_304 = tpu.memref_slice %arg6[%select_n3A, %dma_wait3A_303] : memref<4x384xi32, #tpu.memory_space<vmem>> -> memref<1x64xi32, #tpu.memory_space<vmem>>
    %dma_wait3A_305 = tpu.memref_squeeze %dma_wait3A_304 : memref<1x64xi32, #tpu.memory_space<vmem>> -> memref<64xi32, #tpu.memory_space<vmem>>
    %dma_wait3A_306 = arith.constant 0 : i32
    %dma_wait3A_307 = arith.constant 0 : i32
    %dma_wait3A_308 = tpu.memref_slice %arg3[%dma_wait3A_306, %dma_wait3A_307] : memref<100000x128xf32, #tpu.memory_space<hbm>> -> memref<100000x128xf32, #tpu.memory_space<hbm>>
    %dma_wait3A_309 = tpu.memref_slice %arg9[%dma_wait3A_299] : memref<4x!tpu.dma_semaphore, #tpu.memory_space<semaphore_mem>> -> memref<1x!tpu.dma_semaphore, #tpu.memory_space<semaphore_mem>>
    %dma_wait3A_310 = tpu.memref_squeeze %dma_wait3A_309 : memref<1x!tpu.dma_semaphore, #tpu.memory_space<semaphore_mem>> -> memref<!tpu.dma_semaphore, #tpu.memory_space<semaphore_mem>>
    tpu.wait_indirect_dma semaphore(%dma_wait3A_310 : memref<!tpu.dma_semaphore, #tpu.memory_space<semaphore_mem>>) src(%dma_wait3A_308 : memref<100000x128xf32, #tpu.memory_space<hbm>>) dst(%dma_wait3A_302 : memref<64x128xf32, #tpu.memory_space<vmem>>)
    %sub3A_311 = arith.constant 10 : i32
    %sub3A_312 = arith.subi %reduce_min3A_176, %sub3A_311 : i32
    %lt3A_313 = arith.constant 256 : i32
    %lt3A_314 = arith.cmpi slt, %sub3A_312, %lt3A_313 : i32
    %gt3A_315 = arith.constant 192 : i32
    %gt3A_316 = arith.cmpi sgt, %reduce_min3A_176, %gt3A_315 : i32
    %and3A_317 = arith.andi %lt3A_314, %gt3A_316 : i1
    %convert_element_type3A_318 = arith.extui %and3A_317 : i1 to i32
    %cond3A_319 = arith.constant 0 : i32
    %cond3A_320 = arith.cmpi ne, %convert_element_type3A_318, %cond3A_319 : i32
    scf.if %cond3A_320 {
      %scan3A_398 = arith.constant 0 : i32
      %scan3A_399 = arith.constant 0 : i32
      %scan3A_400 = arith.constant 10 : i32
      %scan3A_401 = arith.addi %scan3A_399, %scan3A_400 : i32
      %scan3A_402 = arith.constant 1 : i32
      scf.for %scan3A_404 = %scan3A_399 to %scan3A_401 step %scan3A_402  : i32 {
        %sub3A_405 = arith.constant 10 : i32
        %sub3A_406 = arith.subi %sub3A_405, %scan3A_404 : i32
        %sub3A_407 = vector.broadcast %sub3A_406 : i32 to vector<16xi32>
        %sub3A_408 = arith.subi %min3A_169, %sub3A_407 : vector<16xi32>
        %ge3A = arith.constant 192 : i32
        %ge3A_409 = vector.broadcast %ge3A : i32 to vector<16xi32>
        %ge3A_410 = arith.cmpi sge, %sub3A_408, %ge3A_409 : vector<16xi32>
        %lt3A_411 = arith.constant 256 : i32
        %lt3A_412 = vector.broadcast %lt3A_411 : i32 to vector<16xi32>
        %lt3A_413 = arith.cmpi slt, %sub3A_408, %lt3A_412 : vector<16xi32>
        %and3A_414 = arith.andi %ge3A_410, %lt3A_413 : vector<16xi1>
        %add3A_415 = arith.constant 0 : i32
        %add3A_416 = vector.broadcast %add3A_415 : i32 to vector<16xi32>
        %add3A_417 = arith.addi %iota3A, %add3A_416 : vector<16xi32>
        %mul3A_418 = arith.constant 128 : i32
        %mul3A_419 = arith.muli %scan3A_404, %mul3A_418 : i32
        %add3A_420 = arith.constant 0 : i32
        %add3A_421 = arith.addi %mul3A_419, %add3A_420 : i32
        %get3A_422 = arith.index_cast %add3A_421 : i32 to index
        %get3A_423 = tpu.vector_load %arg7[%get3A_422] {strides = array<i32>} : memref<1280xf32, #tpu.memory_space<vmem>>, vector<16xf32>,
        tpu.vector_store_idx %arg8[%sub3A_408, %add3A_417], %get3A_423 masked %and3A_414 : memref<256x128xf32, #tpu.memory_space<vmem>>[vector<16xi32>, vector<16xi32>], vector<16xf32>, vector<16xi1>
        %add3A_424 = arith.constant 16 : i32
        %add3A_425 = vector.broadcast %add3A_424 : i32 to vector<16xi32>
        %add3A_426 = arith.addi %iota3A, %add3A_425 : vector<16xi32>
        %mul3A_427 = arith.constant 128 : i32
        %mul3A_428 = arith.muli %scan3A_404, %mul3A_427 : i32
        %add3A_429 = arith.constant 16 : i32
        %add3A_430 = arith.addi %mul3A_428, %add3A_429 : i32
        %get3A_431 = arith.index_cast %add3A_430 : i32 to index
        %get3A_432 = tpu.vector_load %arg7[%get3A_431] {strides = array<i32>} : memref<1280xf32, #tpu.memory_space<vmem>>, vector<16xf32>,
        tpu.vector_store_idx %arg8[%sub3A_408, %add3A_426], %get3A_432 masked %and3A_414 : memref<256x128xf32, #tpu.memory_space<vmem>>[vector<16xi32>, vector<16xi32>], vector<16xf32>, vector<16xi1>
        %add3A_433 = arith.constant 32 : i32
        %add3A_434 = vector.broadcast %add3A_433 : i32 to vector<16xi32>
        %add3A_435 = arith.addi %iota3A, %add3A_434 : vector<16xi32>
        %mul3A_436 = arith.constant 128 : i32
        %mul3A_437 = arith.muli %scan3A_404, %mul3A_436 : i32
        %add3A_438 = arith.constant 32 : i32
        %add3A_439 = arith.addi %mul3A_437, %add3A_438 : i32
        %get3A_440 = arith.index_cast %add3A_439 : i32 to index
        %get3A_441 = tpu.vector_load %arg7[%get3A_440] {strides = array<i32>} : memref<1280xf32, #tpu.memory_space<vmem>>, vector<16xf32>,
        tpu.vector_store_idx %arg8[%sub3A_408, %add3A_435], %get3A_441 masked %and3A_414 : memref<256x128xf32, #tpu.memory_space<vmem>>[vector<16xi32>, vector<16xi32>], vector<16xf32>, vector<16xi1>
        %add3A_442 = arith.constant 48 : i32
        %add3A_443 = vector.broadcast %add3A_442 : i32 to vector<16xi32>
        %add3A_444 = arith.addi %iota3A, %add3A_443 : vector<16xi32>
        %mul3A_445 = arith.constant 128 : i32
        %mul3A_446 = arith.muli %scan3A_404, %mul3A_445 : i32
        %add3A_447 = arith.constant 48 : i32
        %add3A_448 = arith.addi %mul3A_446, %add3A_447 : i32
        %get3A_449 = arith.index_cast %add3A_448 : i32 to index
        %get3A_450 = tpu.vector_load %arg7[%get3A_449] {strides = array<i32>} : memref<1280xf32, #tpu.memory_space<vmem>>, vector<16xf32>,
        tpu.vector_store_idx %arg8[%sub3A_408, %add3A_444], %get3A_450 masked %and3A_414 : memref<256x128xf32, #tpu.memory_space<vmem>>[vector<16xi32>, vector<16xi32>], vector<16xf32>, vector<16xi1>
        %add3A_451 = arith.constant 64 : i32
        %add3A_452 = vector.broadcast %add3A_451 : i32 to vector<16xi32>
        %add3A_453 = arith.addi %iota3A, %add3A_452 : vector<16xi32>
        %mul3A_454 = arith.constant 128 : i32
        %mul3A_455 = arith.muli %scan3A_404, %mul3A_454 : i32
        %add3A_456 = arith.constant 64 : i32
        %add3A_457 = arith.addi %mul3A_455, %add3A_456 : i32
        %get3A_458 = arith.index_cast %add3A_457 : i32 to index
        %get3A_459 = tpu.vector_load %arg7[%get3A_458] {strides = array<i32>} : memref<1280xf32, #tpu.memory_space<vmem>>, vector<16xf32>,
        tpu.vector_store_idx %arg8[%sub3A_408, %add3A_453], %get3A_459 masked %and3A_414 : memref<256x128xf32, #tpu.memory_space<vmem>>[vector<16xi32>, vector<16xi32>], vector<16xf32>, vector<16xi1>
        %add3A_460 = arith.constant 80 : i32
        %add3A_461 = vector.broadcast %add3A_460 : i32 to vector<16xi32>
        %add3A_462 = arith.addi %iota3A, %add3A_461 : vector<16xi32>
        %mul3A_463 = arith.constant 128 : i32
        %mul3A_464 = arith.muli %scan3A_404, %mul3A_463 : i32
        %add3A_465 = arith.constant 80 : i32
        %add3A_466 = arith.addi %mul3A_464, %add3A_465 : i32
        %get3A_467 = arith.index_cast %add3A_466 : i32 to index
        %get3A_468 = tpu.vector_load %arg7[%get3A_467] {strides = array<i32>} : memref<1280xf32, #tpu.memory_space<vmem>>, vector<16xf32>,
        tpu.vector_store_idx %arg8[%sub3A_408, %add3A_462], %get3A_468 masked %and3A_414 : memref<256x128xf32, #tpu.memory_space<vmem>>[vector<16xi32>, vector<16xi32>], vector<16xf32>, vector<16xi1>
        %add3A_469 = arith.constant 96 : i32
        %add3A_470 = vector.broadcast %add3A_469 : i32 to vector<16xi32>
        %add3A_471 = arith.addi %iota3A, %add3A_470 : vector<16xi32>
        %mul3A_472 = arith.constant 128 : i32
        %mul3A_473 = arith.muli %scan3A_404, %mul3A_472 : i32
        %add3A_474 = arith.constant 96 : i32
        %add3A_475 = arith.addi %mul3A_473, %add3A_474 : i32
        %get3A_476 = arith.index_cast %add3A_475 : i32 to index
        %get3A_477 = tpu.vector_load %arg7[%get3A_476] {strides = array<i32>} : memref<1280xf32, #tpu.memory_space<vmem>>, vector<16xf32>,
        tpu.vector_store_idx %arg8[%sub3A_408, %add3A_471], %get3A_477 masked %and3A_414 : memref<256x128xf32, #tpu.memory_space<vmem>>[vector<16xi32>, vector<16xi32>], vector<16xf32>, vector<16xi1>
        %add3A_478 = arith.constant 112 : i32
        %add3A_479 = vector.broadcast %add3A_478 : i32 to vector<16xi32>
        %add3A_480 = arith.addi %iota3A, %add3A_479 : vector<16xi32>
        %mul3A_481 = arith.constant 128 : i32
        %mul3A_482 = arith.muli %scan3A_404, %mul3A_481 : i32
        %add3A_483 = arith.constant 112 : i32
        %add3A_484 = arith.addi %mul3A_482, %add3A_483 : i32
        %get3A_485 = arith.index_cast %add3A_484 : i32 to index
        %get3A_486 = tpu.vector_load %arg7[%get3A_485] {strides = array<i32>} : memref<1280xf32, #tpu.memory_space<vmem>>, vector<16xf32>,
        tpu.vector_store_idx %arg8[%sub3A_408, %add3A_480], %get3A_486 masked %and3A_414 : memref<256x128xf32, #tpu.memory_space<vmem>>[vector<16xi32>, vector<16xi32>], vector<16xf32>, vector<16xi1>
      }
      %scan3A_403 = arith.constant 10 : i32
    } else {
    }
    %add3A_321 = arith.constant 192 : i32
    %add3A_322 = arith.addi %multiple_of3A, %add3A_321 : i32
    %dma_start3A_323 = arith.constant 3 : i32
    %dma_start3A_324 = arith.constant 192 : i32
    %dma_start3A_325 = arith.constant 0 : i32
    %dma_start3A_326 = tpu.memref_slice %arg8[%dma_start3A_324, %dma_start3A_325] : memref<256x128xf32, #tpu.memory_space<vmem>> -> memref<64x128xf32, #tpu.memory_space<vmem>>
    %dma_start3A_327 = arith.constant 0 : i32
    %dma_start3A_328 = tpu.memref_slice %arg5[%select_n3A, %add3A_322, %dma_start3A_327] : memref<4x2048x128xf32, #tpu.memory_space<hbm>> -> memref<1x64x128xf32, #tpu.memory_space<hbm>>
    %dma_start3A_329 = tpu.memref_squeeze %dma_start3A_328 : memref<1x64x128xf32, #tpu.memory_space<hbm>> -> memref<64x128xf32, #tpu.memory_space<hbm>>
    %dma_start3A_330 = tpu.memref_slice %arg10[%dma_start3A_323] : memref<4x!tpu.dma_semaphore, #tpu.memory_space<semaphore_mem>> -> memref<1x!tpu.dma_semaphore, #tpu.memory_space<semaphore_mem>>
    %dma_start3A_331 = tpu.memref_squeeze %dma_start3A_330 : memref<1x!tpu.dma_semaphore, #tpu.memory_space<semaphore_mem>> -> memref<!tpu.dma_semaphore, #tpu.memory_space<semaphore_mem>>
    %dma_start3A_332 = arith.constant 0 : i32
    %dma_start3A_333 = tpu.memref_slice %arg5[%select_n3A, %add3A_322, %dma_start3A_332] : memref<4x2048x128xf32, #tpu.memory_space<hbm>> -> memref<1x64x128xf32, #tpu.memory_space<hbm>>
    %dma_start3A_334 = tpu.memref_squeeze %dma_start3A_333 : memref<1x64x128xf32, #tpu.memory_space<hbm>> -> memref<64x128xf32, #tpu.memory_space<hbm>>
    %dma_start3A_335 = arith.constant 192 : i32
    %dma_start3A_336 = arith.constant 0 : i32
    %dma_start3A_337 = tpu.memref_slice %arg8[%dma_start3A_335, %dma_start3A_336] : memref<256x128xf32, #tpu.memory_space<vmem>> -> memref<64x128xf32, #tpu.memory_space<vmem>>
    tpu.enqueue_dma source(%dma_start3A_337 : memref<64x128xf32, #tpu.memory_space<vmem>>) target(%dma_start3A_334 : memref<64x128xf32, #tpu.memory_space<hbm>>) target_semaphore(%dma_start3A_331 : memref<!tpu.dma_semaphore, #tpu.memory_space<semaphore_mem>>)
    %dma_wait3A_338 = arith.constant 0 : i32
    %dma_wait3A_339 = arith.constant 0 : i32
    %dma_wait3A_340 = arith.constant 0 : i32
    %dma_wait3A_341 = tpu.memref_slice %arg8[%dma_wait3A_339, %dma_wait3A_340] : memref<256x128xf32, #tpu.memory_space<vmem>> -> memref<64x128xf32, #tpu.memory_space<vmem>>
    %dma_wait3A_342 = arith.constant 0 : i32
    %dma_wait3A_343 = tpu.memref_slice %arg5[%select_n3A, %add3A_205, %dma_wait3A_342] : memref<4x2048x128xf32, #tpu.memory_space<hbm>> -> memref<1x64x128xf32, #tpu.memory_space<hbm>>
    %dma_wait3A_344 = tpu.memref_squeeze %dma_wait3A_343 : memref<1x64x128xf32, #tpu.memory_space<hbm>> -> memref<64x128xf32, #tpu.memory_space<hbm>>
    %dma_wait3A_345 = tpu.memref_slice %arg10[%dma_wait3A_338] : memref<4x!tpu.dma_semaphore, #tpu.memory_space<semaphore_mem>> -> memref<1x!tpu.dma_semaphore, #tpu.memory_space<semaphore_mem>>
    %dma_wait3A_346 = tpu.memref_squeeze %dma_wait3A_345 : memref<1x!tpu.dma_semaphore, #tpu.memory_space<semaphore_mem>> -> memref<!tpu.dma_semaphore, #tpu.memory_space<semaphore_mem>>
    %dma_wait3A_347 = arith.constant 0 : i32
    %dma_wait3A_348 = tpu.memref_slice %arg5[%select_n3A, %add3A_205, %dma_wait3A_347] : memref<4x2048x128xf32, #tpu.memory_space<hbm>> -> memref<1x64x128xf32, #tpu.memory_space<hbm>>
    %dma_wait3A_349 = tpu.memref_squeeze %dma_wait3A_348 : memref<1x64x128xf32, #tpu.memory_space<hbm>> -> memref<64x128xf32, #tpu.memory_space<hbm>>
    %dma_wait3A_350 = arith.constant 0 : i32
    %dma_wait3A_351 = arith.constant 0 : i32
    %dma_wait3A_352 = tpu.memref_slice %arg8[%dma_wait3A_350, %dma_wait3A_351] : memref<256x128xf32, #tpu.memory_space<vmem>> -> memref<64x128xf32, #tpu.memory_space<vmem>>
    tpu.wait_dma2 semaphore(%dma_wait3A_346 : memref<!tpu.dma_semaphore, #tpu.memory_space<semaphore_mem>>) src(%dma_wait3A_352 : memref<64x128xf32, #tpu.memory_space<vmem>>) dst(%dma_wait3A_349 : memref<64x128xf32, #tpu.memory_space<hbm>>)
    %dma_wait3A_353 = arith.constant 1 : i32
    %dma_wait3A_354 = arith.constant 64 : i32
    %dma_wait3A_355 = arith.constant 0 : i32
    %dma_wait3A_356 = tpu.memref_slice %arg8[%dma_wait3A_354, %dma_wait3A_355] : memref<256x128xf32, #tpu.memory_space<vmem>> -> memref<64x128xf32, #tpu.memory_space<vmem>>
    %dma_wait3A_357 = arith.constant 0 : i32
    %dma_wait3A_358 = tpu.memref_slice %arg5[%select_n3A, %add3A_244, %dma_wait3A_357] : memref<4x2048x128xf32, #tpu.memory_space<hbm>> -> memref<1x64x128xf32, #tpu.memory_space<hbm>>
    %dma_wait3A_359 = tpu.memref_squeeze %dma_wait3A_358 : memref<1x64x128xf32, #tpu.memory_space<hbm>> -> memref<64x128xf32, #tpu.memory_space<hbm>>
    %dma_wait3A_360 = tpu.memref_slice %arg10[%dma_wait3A_353] : memref<4x!tpu.dma_semaphore, #tpu.memory_space<semaphore_mem>> -> memref<1x!tpu.dma_semaphore, #tpu.memory_space<semaphore_mem>>
    %dma_wait3A_361 = tpu.memref_squeeze %dma_wait3A_360 : memref<1x!tpu.dma_semaphore, #tpu.memory_space<semaphore_mem>> -> memref<!tpu.dma_semaphore, #tpu.memory_space<semaphore_mem>>
    %dma_wait3A_362 = arith.constant 0 : i32
    %dma_wait3A_363 = tpu.memref_slice %arg5[%select_n3A, %add3A_244, %dma_wait3A_362] : memref<4x2048x128xf32, #tpu.memory_space<hbm>> -> memref<1x64x128xf32, #tpu.memory_space<hbm>>
    %dma_wait3A_364 = tpu.memref_squeeze %dma_wait3A_363 : memref<1x64x128xf32, #tpu.memory_space<hbm>> -> memref<64x128xf32, #tpu.memory_space<hbm>>
    %dma_wait3A_365 = arith.constant 64 : i32
    %dma_wait3A_366 = arith.constant 0 : i32
    %dma_wait3A_367 = tpu.memref_slice %arg8[%dma_wait3A_365, %dma_wait3A_366] : memref<256x128xf32, #tpu.memory_space<vmem>> -> memref<64x128xf32, #tpu.memory_space<vmem>>
    tpu.wait_dma2 semaphore(%dma_wait3A_361 : memref<!tpu.dma_semaphore, #tpu.memory_space<semaphore_mem>>) src(%dma_wait3A_367 : memref<64x128xf32, #tpu.memory_space<vmem>>) dst(%dma_wait3A_364 : memref<64x128xf32, #tpu.memory_space<hbm>>)
    %dma_wait3A_368 = arith.constant 2 : i32
    %dma_wait3A_369 = arith.constant 128 : i32
    %dma_wait3A_370 = arith.constant 0 : i32
    %dma_wait3A_371 = tpu.memref_slice %arg8[%dma_wait3A_369, %dma_wait3A_370] : memref<256x128xf32, #tpu.memory_space<vmem>> -> memref<64x128xf32, #tpu.memory_space<vmem>>
    %dma_wait3A_372 = arith.constant 0 : i32
    %dma_wait3A_373 = tpu.memref_slice %arg5[%select_n3A, %add3A_283, %dma_wait3A_372] : memref<4x2048x128xf32, #tpu.memory_space<hbm>> -> memref<1x64x128xf32, #tpu.memory_space<hbm>>
    %dma_wait3A_374 = tpu.memref_squeeze %dma_wait3A_373 : memref<1x64x128xf32, #tpu.memory_space<hbm>> -> memref<64x128xf32, #tpu.memory_space<hbm>>
    %dma_wait3A_375 = tpu.memref_slice %arg10[%dma_wait3A_368] : memref<4x!tpu.dma_semaphore, #tpu.memory_space<semaphore_mem>> -> memref<1x!tpu.dma_semaphore, #tpu.memory_space<semaphore_mem>>
    %dma_wait3A_376 = tpu.memref_squeeze %dma_wait3A_375 : memref<1x!tpu.dma_semaphore, #tpu.memory_space<semaphore_mem>> -> memref<!tpu.dma_semaphore, #tpu.memory_space<semaphore_mem>>
    %dma_wait3A_377 = arith.constant 0 : i32
    %dma_wait3A_378 = tpu.memref_slice %arg5[%select_n3A, %add3A_283, %dma_wait3A_377] : memref<4x2048x128xf32, #tpu.memory_space<hbm>> -> memref<1x64x128xf32, #tpu.memory_space<hbm>>
    %dma_wait3A_379 = tpu.memref_squeeze %dma_wait3A_378 : memref<1x64x128xf32, #tpu.memory_space<hbm>> -> memref<64x128xf32, #tpu.memory_space<hbm>>
    %dma_wait3A_380 = arith.constant 128 : i32
    %dma_wait3A_381 = arith.constant 0 : i32
    %dma_wait3A_382 = tpu.memref_slice %arg8[%dma_wait3A_380, %dma_wait3A_381] : memref<256x128xf32, #tpu.memory_space<vmem>> -> memref<64x128xf32, #tpu.memory_space<vmem>>
    tpu.wait_dma2 semaphore(%dma_wait3A_376 : memref<!tpu.dma_semaphore, #tpu.memory_space<semaphore_mem>>) src(%dma_wait3A_382 : memref<64x128xf32, #tpu.memory_space<vmem>>) dst(%dma_wait3A_379 : memref<64x128xf32, #tpu.memory_space<hbm>>)
    %dma_wait3A_383 = arith.constant 3 : i32
    %dma_wait3A_384 = arith.constant 192 : i32
    %dma_wait3A_385 = arith.constant 0 : i32
    %dma_wait3A_386 = tpu.memref_slice %arg8[%dma_wait3A_384, %dma_wait3A_385] : memref<256x128xf32, #tpu.memory_space<vmem>> -> memref<64x128xf32, #tpu.memory_space<vmem>>
    %dma_wait3A_387 = arith.constant 0 : i32
    %dma_wait3A_388 = tpu.memref_slice %arg5[%select_n3A, %add3A_322, %dma_wait3A_387] : memref<4x2048x128xf32, #tpu.memory_space<hbm>> -> memref<1x64x128xf32, #tpu.memory_space<hbm>>
    %dma_wait3A_389 = tpu.memref_squeeze %dma_wait3A_388 : memref<1x64x128xf32, #tpu.memory_space<hbm>> -> memref<64x128xf32, #tpu.memory_space<hbm>>
    %dma_wait3A_390 = tpu.memref_slice %arg10[%dma_wait3A_383] : memref<4x!tpu.dma_semaphore, #tpu.memory_space<semaphore_mem>> -> memref<1x!tpu.dma_semaphore, #tpu.memory_space<semaphore_mem>>
    %dma_wait3A_391 = tpu.memref_squeeze %dma_wait3A_390 : memref<1x!tpu.dma_semaphore, #tpu.memory_space<semaphore_mem>> -> memref<!tpu.dma_semaphore, #tpu.memory_space<semaphore_mem>>
    %dma_wait3A_392 = arith.constant 0 : i32
    %dma_wait3A_393 = tpu.memref_slice %arg5[%select_n3A, %add3A_322, %dma_wait3A_392] : memref<4x2048x128xf32, #tpu.memory_space<hbm>> -> memref<1x64x128xf32, #tpu.memory_space<hbm>>
    %dma_wait3A_394 = tpu.memref_squeeze %dma_wait3A_393 : memref<1x64x128xf32, #tpu.memory_space<hbm>> -> memref<64x128xf32, #tpu.memory_space<hbm>>
    %dma_wait3A_395 = arith.constant 192 : i32
    %dma_wait3A_396 = arith.constant 0 : i32
    %dma_wait3A_397 = tpu.memref_slice %arg8[%dma_wait3A_395, %dma_wait3A_396] : memref<256x128xf32, #tpu.memory_space<vmem>> -> memref<64x128xf32, #tpu.memory_space<vmem>>
    tpu.wait_dma2 semaphore(%dma_wait3A_391 : memref<!tpu.dma_semaphore, #tpu.memory_space<semaphore_mem>>) src(%dma_wait3A_397 : memref<64x128xf32, #tpu.memory_space<vmem>>) dst(%dma_wait3A_394 : memref<64x128xf32, #tpu.memory_space<hbm>>)
    return
  }
}

</mosaic_0001>

<sc_bundles>
// kernel: kernel.3.cloned.1.call-start
scs
__scs_entry_jumppad:
0x0: {  	(pc) =	sbr.rel $0x88, $3  }
0x1: {  	(tag) =	ssettag $0x0;
	lr =	simm.s32 $0x1  }
0x2: {  	[smem:$0x3F9E] =	sst lr;
	_ =	strace $0xD0000000  }
0x3: {  	_ = 	snop  }
0x4: {  	_ = 	snop  }
0x5: {  	_ = 	snop  }
0x6: {  	_ = 	snop  }
0x7: {  	_ = 	snop  }
__scs_overlays_trampoline_lowered:
0x8: {  	[smem:$0x3FAD] =	sst s0  }
0x9: {  	[smem:$0x3FAE] =	sst s1  }
0xa: {  	[smem:$0x3FAF] =	sst s2  }
0xb: {  	[smem:$0x3FB0] =	sst s3  }
0xc: {  	[smem:$0x3FB1] =	sst s4  }
0xd: {  	[smem:$0x3FB2] =	sst s5  }
0xe: {  	[smem:$0x3FB3] =	sst s6  }
0xf: {  	[smem:$0x3FB4] =	sst s7  }
0x10: {  	[smem:$0x3FB5] =	sst s8  }
0x11: {  	[smem:$0x3FB6] =	sst s9;
	s0 =	simm.s32 @!p0 $0x0  }
0x12: {  	s1 =	sld [smem:$0x3F9C];
	s0 =	simm.s32 @p0 $0x1  }
0x13: {  	[smem:$0x3FB7] =	sst s0;
	s0 =	simm.s32 @!p1 $0x0  }
0x14: {  	s2 =	sld [smem:$0x3F9B];
	s0 =	simm.s32 @p1 $0x1  }
0x15: {  	[smem:$0x3FB8] =	sst s0;
	s0 =	simm.s32 @!p2 $0x0  }
0x16: {  	s3 =	sld [smem:$0x3FDB];
	s0 =	simm.s32 @p2 $0x1  }
0x17: {  	s4 =	simm.s32 $0x1BF5;
	[smem:$0x3FBA] =	sst s0  }
0x18: {  	s0 =	sld [smem:$0x3F9D];
	_ =	swait.ge [sflag:s4], $0x0  }
0x19: {  	s7 =	sld [smem:$0x3F9E]  }
0x1a: {  	s8 =	sadd.s32 $0xFFFFE003, lr  }
0x1b: {  	s9 =	sadd.s32 $0xFFFFFEF7, lr;
	s5 =	simm.s32 $0xFFFFFFFF;
	p2 =	slt.u32 s8, $0xFFFFF086  }
0x1c: {  	p1 =	slt.u32 s9, $0xF7A;
	s5 =	simm.s32 @!p2 $0x0  }
0x1d: {  	s5 =	simm.s32 @p1 $0x1;
	p0 =	seq.s32 s7, s2  }
0x1e: {  	s7 =	smul.u32 @!p0 $0xF7A, s2;
	p2 =	seq.s32 @!p0 s5, $0x0  }
0x1f: {  	s9 =	smul.u32 $0xF7A, s1;
	s8 =	simm.s32 @!p0 $0x1BF5;
	p2 =	por !p2, p0  }
0x20: {  	[sflag:s8] =	ssyncset.s32 @!p0 $0xFFFFF086;
	s6 =	sadd.s32 @!p0 s3, s7;
	s7 =	simm.s32 @!p0 $0x108  }
0x21: {  	s3 =	sadd.s32 s3, s9;
	s6 =	sadd.s32 @!p0 $0x88, s6;
	s7 =	simm.s32 @p2 $0x1082  }
0x22: {  	[simem:s7], [sflag:s8] =	dma.local @!p0 [hbm:s6], $0xF7A  }
0x23: {  	s9 =	sor.u32 $0xD0000000, s2;
	s6 =	simm.s32 $0x108;
	_ =	swait.ge @!p0 [sflag:s8], $0x0  }
0x24: {  	s3 =	sadd.s32 $0x88, s3;
	s6 =	simm.s32 @!p1 $0x1082;
	[sflag:s4] =	ssyncset.s32 $0xFFFFF086  }
0x25: {  	[simem:s6], [sflag:s4] =	dma.local [hbm:s3], $0xF7A  }
0x26: {  	[smem:$0x3F9E] =	sst s1;
	(tag) =	ssettag s2;
	_ =	strace s9  }
0x27: {  	s1 =	sld [smem:$0x3FAE]  }
0x28: {  	s2 =	sld [smem:$0x3FAF]  }
0x29: {  	s4 =	sld [smem:$0x3FB1]  }
0x2a: {  	p0 =	seq.s32 s5, $0x0;
	s5 =	sld [smem:$0x3FB2]  }
0x2b: {  	s6 =	sld [smem:$0x3FB3]  }
0x2c: {  	s7 =	sld [smem:$0x3FB4]  }
0x2d: {  	s3 =	simm.s32 $0x108;
	s8 =	sld [smem:$0x3FB5]  }
0x2e: {  	s3 =	simm.s32 @!p0 $0x1082;
	s9 =	sld [smem:$0x3FB6]  }
0x2f: {  	lr =	sadd.s32 s0, s3;
	s0 =	sld [smem:$0x3FAD]  }
0x30: {  	s3 =	sld [smem:$0x3FB0]  }
0x31: {  	[smem:$0x3FB9] =	sst s10  }
0x32: {  	s10 =	sld [smem:$0x3FB7];
	_ =	sdelay $0x3  }
0x33: {  	p0 =	seq.s32 s10, $0x1;
	s10 =	sld [smem:$0x3FB9];
	_ =	sdelay $0x3  }
0x34: {  	[smem:$0x3FB9] =	sst s10  }
0x35: {  	s10 =	sld [smem:$0x3FB8];
	_ =	sdelay $0x3  }
0x36: {  	p1 =	seq.s32 s10, $0x1;
	s10 =	sld [smem:$0x3FB9];
	_ =	sdelay $0x3  }
0x37: {  	[smem:$0x3FB9] =	sst s10  }
0x38: {  	s10 =	sld [smem:$0x3FBA]  }
0x39: {  	_ = 	snop;
	(pc) =	sbr.ind lr, $3  }
0x3a: {  	_ = 	snop  }
0x3b: {  	_ = 	snop  }
0x3c: {  	p2 =	seq.s32 s10, $0x1;
	s10 =	sld [smem:$0x3FB9]  }
0x3d: {  	_ =	shalt  }
0x3e: {  	_ =	shalt  }
0x3f: {  	_ =	shalt  }
0x40: {  	_ =	shalt  }
0x41: {  	_ =	shalt  }
0x42: {  	_ =	shalt  }
0x43: {  	_ =	shalt  }
0x44: {  	_ =	shalt  }
0x45: {  	_ =	shalt  }
0x46: {  	_ =	shalt  }
0x47: {  	_ =	shalt  }
0x48: {  	_ =	shalt  }
0x49: {  	_ =	shalt  }
0x4a: {  	_ =	shalt  }
0x4b: {  	_ =	shalt  }
0x4c: {  	_ =	shalt  }
0x4d: {  	_ =	shalt  }
0x4e: {  	_ =	shalt  }
0x4f: {  	_ =	shalt  }
0x50: {  	_ =	shalt  }
0x51: {  	_ =	shalt  }
0x52: {  	_ =	shalt  }
0x53: {  	_ =	shalt  }
0x54: {  	_ =	shalt  }
0x55: {  	_ =	shalt  }
0x56: {  	_ =	shalt  }
0x57: {  	_ =	shalt  }
0x58: {  	_ =	shalt  }
0x59: {  	_ =	shalt  }
0x5a: {  	_ =	shalt  }
0x5b: {  	_ =	shalt  }
0x5c: {  	_ =	shalt  }
0x5d: {  	_ =	shalt  }
0x5e: {  	_ =	shalt  }
0x5f: {  	_ =	shalt  }
0x60: {  	_ =	shalt  }
0x61: {  	_ =	shalt  }
0x62: {  	_ =	shalt  }
0x63: {  	_ =	shalt  }
0x64: {  	_ =	shalt  }
0x65: {  	_ =	shalt  }
0x66: {  	_ =	shalt  }
0x67: {  	_ =	shalt  }
0x68: {  	_ =	shalt  }
0x69: {  	_ =	shalt  }
0x6a: {  	_ =	shalt  }
0x6b: {  	_ =	shalt  }
0x6c: {  	_ =	shalt  }
0x6d: {  	_ =	shalt  }
0x6e: {  	_ =	shalt  }
0x6f: {  	_ =	shalt  }
0x70: {  	_ =	shalt  }
0x71: {  	_ =	shalt  }
0x72: {  	_ =	shalt  }
0x73: {  	_ =	shalt  }
0x74: {  	_ =	shalt  }
0x75: {  	_ =	shalt  }
0x76: {  	_ =	shalt  }
0x77: {  	_ =	shalt  }
0x78: {  	_ =	shalt  }
0x79: {  	_ =	shalt  }
0x7a: {  	_ =	shalt  }
0x7b: {  	_ =	shalt  }
0x7c: {  	_ =	shalt  }
0x7d: {  	_ =	shalt  }
0x7e: {  	_ =	shalt  }
0x7f: {  	_ =	shalt  }
0x80: {  	_ =	shalt  }
0x81: {  	_ =	shalt  }
0x82: {  	_ =	shalt  }
0x83: {  	_ =	shalt  }
0x84: {  	_ =	shalt  }
0x85: {  	_ =	shalt  }
0x86: {  	_ =	shalt  }
0x87: {  	_ =	shalt  }
.Lfunc_end0:
.L_simem_size_0:
called_computation_lowered:
.L_overlay_start_0:
0x88: {  	s2 =	sld [smem:$0x3FD9]  }
0x89: {  	s3 =	sld [smem:$0x3FFE];
	_ =	sdelay $0x1  }
0x8a: {  	s1 =	srdreg.scid  }
0x8b: {  	s0 =	sand.u32 $0x1, s1  }
0x8c: {  	s18 =	sshll.u32 s0, $0xA;
	s2 =	sadd.s32 s3, s2  }
0x8d: {  	s2 =	sadd.s32 s2, s18  }
0x8e: {  	[smem:$0x3FC5] =	sst s2  }
0x8f: {  	_ = 	snop  }
0x90: {  	s2 =	sld [smem:$0x3FC9]  }
0x91: {  	s19 =	sld [smem:$0x3FC8]  }
0x92: {  	s4 =	sld [smem:$0x3FC7]  }
0x93: {  	s5 =	sld [smem:$0x3FD0];
	(tm) =	ssettm $0x1  }
0x94: {  	s6 =	sld [smem:$0x3FFB];
	_ =	sdelay $0x3  }
0x95: {  	_ =	strace s6  }
0x96: {  	s6 =	sld [smem:$0x3FFC];
	_ =	sdelay $0x3  }
0x97: {  	_ =	strace s6  }
0x98: {  	s6 =	sld [smem:$0x3FFD];
	_ =	sdelay $0x3  }
0x99: {  	_ =	strace s6  }
0x9a: {  	_ =	strace $0x8FFFFFFF  }
0x9b: {  	s20 =	sld [smem:$0x3FDB];
	_ =	sdelay $0x1  }
0x9c: {  	s7 =	simm.s32 $_scs_section_size  }
0x9d: {  	s8 =	simm.s32 $_size__tile_overlayer_lowered;
	s9 =	simm.s32 $_tile_overlayer_lowered  }
0x9e: {  	s23 =	simm.s32 $0x1BFF;
	s22 =	sshll.u32 s9, $0x1;
	s6 =	sadd.s32 s7, s20  }
0x9f: {  	s10 =	simm.s32 $0x0;
	s21 =	sshll.u32 s8, $0x1;
	s8 =	sadd.s32 s22, s6  }
0xa0: {  	[timem:s10], [sflag:s23] =	dma.local [hbm:s8], s21  }
0xa1: {  	_ =	swait.ge [sflag:s23], s21  }
0xa2: {  	s7 =	ssub.s32 $0x0, s21;
	[sflag:s23] =	ssyncset.done $0x0  }
0xa3: {  	[sflag:s23] =	ssyncadd.s32 s7;
	_ =	sdelay $0x1  }
0xa4: {  	s24 =	simm.s32 $0x1B8B  }
0xa5: {  	_ =	swait.ge [sflag:s24], $0x1  }
0xa6: {  	[sflag:s24] =	ssyncset.done $0x0  }
0xa7: {  	s25 =	simm.s32 $0x1B8E;
	[sflag:s24] =	ssyncadd.s32 $0xFFFFFFFF  }
0xa8: {  	s26 =	simm.s32 $execute0_lowered;
	[smem:$0x3FD2] =	sst s25  }
0xa9: {  	s7 =	sshll.u32 s26, $0x1;
	_ =	strace $0x80000046;
	[dreg:$0x1] =	wrdreg $0xFFFFFFFF  }
0xaa: {  	s28 =	simm.s32 $_size_execute0_lowered;
	s6 =	sadd.s32 s6, s7;
	[dreg:$0x0] =	wrdreg $0x0  }
0xab: {  	s7 =	sshll.u32 s28, $0x1;
	[dreg:$0x2] =	wrdreg s6  }
0xac: {  	[dreg:$0x3] =	wrdreg s7  }
0xad: {  	[dreg:$0x4] =	wrdreg $0xC0  }
0xae: {  	_ =	task [dreg:s10], $0x5FFFF  }
0xaf: {  	[dreg:$0x1] =	wrdreg $0xFFFFFFFF  }
0xb0: {  	[dreg:$0x0] =	wrdreg $0x60  }
0xb1: {  	[dreg:$0x2] =	wrdreg s2  }
0xb2: {  	[dreg:$0x3] =	wrdreg s19  }
0xb3: {  	[dreg:$0x4] =	wrdreg s4  }
0xb4: {  	[dreg:$0x5] =	wrdreg s5  }
0xb5: {  	[dreg:$0x6] =	wrdreg $0x9  }
0xb6: {  	_ =	task.clear_ibuf [dreg:s10], $0x7FFFF;
	_ =	strace $0x90000046  }
0xb7: {  	s29 =	simm.s32 $0x9;
	_ =	strace $0x80000048  }
0xb8: {  	_ =	swait.ge [sflag:s29], $0x1  }
0xb9: {  	[sflag:s29] =	ssyncadd.s32 $0xFFFFFFFF  }
0xba: {  	_ =	strace $0x90000048  }
0xbb: {  	_ =	sfence  }
0xbc: {  	s30 =	sld [smem:$0x0];
	_ =	sdelay $0x2  }
0xbd: {  	s31 =	sshll.u32 s1, $0xD;
	s1 =	sshrl.u32 s1, $0x2  }
0xbe: {  	s3 =	sand.u32 $0x4000, s31;
	s1 =	sadd.s32 s1, s30  }
0xbf: {  	s0 =	sor.u32 s3, s0;
	s1 =	sshll.u32 s1, $0x11  }
0xc0: {  	s0 =	sor.u32 s1, s0  }
0xc1: {  	s0 =	sadd.s32 $0x8F2B, s0  }
0xc2: {  	[sflag:s0] =	ssyncadd.remote.s32 $0x1  }
0xc3: {  	_ =	sfence.sel $0xFFFF  }
0xc4: {  	[dreg:$0x0] =	wrdreg $0xFFFFFFFF;
	(pc) =	sbr.abs _section_cstart, $3  }
0xc5: {  	[dreg:$0x1] =	wrdreg $0xFFFFFFFF  }
0xc6: {  	_ =	task.clear_ibuf [dreg:s10], $0x2FFFF;
	_ =	strace $0x9FFFFFFF  }
0xc7: {  	(tm) =	ssettm $0x7FFFFFFF  }
tec
execute0_lowered:
.L_overlay_start_1:
0x0: {  	(tag) =	ssettag $0x1  }
0x1: {  	s0 =	rddreg [dreg:$0x0]  }
0x2: {  	s1 =	rddreg [dreg:$0x1];
	s2 =	srdreg.scid  }
0x3: {  	s9 =	stileid.u32;
	s3 =	rddreg [dreg:$0x3]  }
0x4: {  	s4 =	simm.s32 $0x0;
	s18 =	simm.s32 $0x9;
	s19 =	simm.s32 $0x40  }
0x5: {  	s20 =	simm.s32 $0xB00;
	s28 =	simm.s32 $0x3;
	s29 =	simm.s32 $0x4  }
0x6: {  	s30 =	simm.s32 $0x5;
	s31 =	simm.s32 $0x6;
	s2 =	sand.u32 $0x1, s2  }
0x7: {  	s5 =	sshll.u32 s9, $0x1;
	[smem:$0x7FF] =	sst s4;
	s11 =	sshrl.u32 s9, $0x2  }
0x8: {  	s5 =	sor.u32 s2, s5;
	s2 =	ssub.s32 $0x2, s2;
	_ =	strace $0x80000047  }
0x9: {  	s21 =	smin.u32 s11, $0x2;
	s6 =	sand.u32 $0x7, s5;
	s7 =	sshrl.u32 s2, $0x1  }
0xa: {  	s22 =	sshll.u32 s11, $0xF;
	s8 =	sshll.u32 s6, $0x7;
	s2 =	ssub.s32 s2, s7  }
0xb: {  	p0 =	seq.s32 s6, $0x7;
	s6 =	sshll.u32 s6, $0xC;
	s7 =	sadd.s32 $0x80, s8  }
0xc: {  	s8 =	sadd.s32 s0, s8;
	s6 =	sor.u32 s22, s6;
	s16 =	smax.u32 s2, $0x1  }
0xd: {  	s22 =	simm.s32 $0x4B00;
	s2 =	simm.s32 $0x7;
	s7 =	simm.s32 @p0 $0x0  }
0xe: {  	[dreg:$0x5] =	wrdreg s8;
	s12 =	sadd.s32 s3, s6;
	s3 =	simm.s32 $0x0  }
0xf: {  	s0 =	sadd.s32 s0, s7;
	s7 =	sshll.u32 s11, $0x7;
	s13 =	sadd.s32 $0x400, s12  }
0x10: {  	s14 =	sadd.s32 $0x800, s12;
	s15 =	sadd.s32 $0xC00, s12;
	[dreg:$0x6] =	wrdreg s0  }
0x11: {  	s0 =	sadd.s32 $0x1, s21;
	s23 =	sor.u32 $0x40, s7;
	s24 =	sor.u32 $0x200, s7  }
.Ltmp0:
0x12: {  	v0 =	vlaneseq.u32;
	s25 =	sor.u32 $0x240, s7;
	[dreg:$0x7] =	wrdreg s23;
	(pc) =	sbr.rel .LBB2_1-.Ltmp0, $4  }
0x13: {  	vm0 =	vmxor vm0, vm0;
	vm1 =	vmmov $0x3ff;
	v1 =	vor.u32 $0x10, v0;
	s21 =	simm.s32 $0x2B00;
	[dreg:$0x8] =	wrdreg s24;
	s11 =	smov.u32 @p0 s0  }
0x14: {  	v2 =	vor.u32 $0x20, v0;
	v3 =	vor.u32 $0x30, v0;
	v4 =	vor.u32 $0x40, v0;
	[dreg:$0x9] =	wrdreg s25;
	p0 =	sne.s32 s5, $0x1F;
	s23 =	simm.s32 $0x6B00  }
0x15: {  	v5 =	vor.u32 $0x50, v0;
	v6 =	vor.u32 $0x60, v0;
	s24 =	simm.s32 $0xA;
	s25 =	simm.s32 $0x1;
	s26 =	sshll.u32 s11, $0x7;
	vm0 =	vmneg @p0 vm0  }
0x16: {  	v7 =	vor.u32 $0x70, v0;
	v8 =	vmov s7;
	s0 =	simm.s32 $0x8;
	s11 =	sand.u32 $0x180, s26;
	vm0 =	vmand vm0, vm1;
	s26 =	simm.s32 $0x2  }
.LBB2_18:
0x17: {  	_ =	sdelay $0x4  }
0x18: {  	[tilespmem:v11+s20+$0x0] =	vst.idx.msk vm1, v10  }
.LBB2_19:
0x19: {  	[hbm4b:s15+s4] =	stream.linear.scatter [tilespmem:s23], [sflag:$0x8], $0x2000, $0x38;
	[tilespmem:$0x8B00] =	vst v63  }
0x1a: {  	_ =	swait.ge [sflag:s30], $0x2000  }
0x1b: {  	[sflag:s30] =	ssyncset.done $0x0  }
0x1c: {  	[sflag:s30] =	ssyncadd.s32 $0xFFFFE000  }
0x1d: {  	_ =	swait.ge [sflag:s31], $0x2000  }
0x1e: {  	[sflag:s31] =	ssyncset.done $0x0  }
0x1f: {  	s3 =	sadd.s32 $0x1, s3;
	[sflag:s31] =	ssyncadd.s32 $0xFFFFE000  }
0x20: {  	p0 =	sne.s32 s3, s16;
	_ =	swait.ge [sflag:s2], $0x2000  }
.Ltmp1:
0x21: {  	[sflag:s2] =	ssyncset.done $0x0;
	(pc) =	sbr.rel @!p0 .LBB2_20-.Ltmp1, $4  }
0x22: {  	[sflag:s2] =	ssyncadd.s32 $0xFFFFE000  }
0x23: {  	_ =	swait.ge [sflag:s0], $0x2000  }
0x24: {  	[sflag:s0] =	ssyncset.done $0x0  }
0x25: {  	[sflag:s0] =	ssyncadd.s32 $0xFFFFE000  }
.LBB2_1:
0x26: {  	s5 =	rddreg [dreg:$0x5]  }
0x27: {  	[tilespmem:s4], [sflag:$0x9] =	stream.linear.gather [hbm4b:s5+s4], $0x400, $0x38;
	[tilespmem:$0x8B00] =	vst v63  }
0x28: {  	s17 =	rddreg [dreg:$0x6];
	s6 =	simm.s32 $0x400  }
0x29: {  	[tilespmem:s6], [sflag:$0xA] =	stream.linear.gather [hbm4b:s17+s4], $0x200, $0x38;
	[tilespmem:$0x8B00] =	vst v63  }
0x2a: {  	_ =	swait.ge [sflag:s18], $0x400  }
0x2b: {  	[sflag:s18] =	ssyncset.done $0x0  }
0x2c: {  	[sflag:s18] =	ssyncadd.s32 $0xFFFFFC00  }
0x2d: {  	[tilespmem:s20], [sflag:$0x1] =	stream.indirect.gather [hbm4b:s1+s19], $0x80, s7, s19, $0xb8;
	[tilespmem:$0x8B00] =	vst v63  }
0x2e: {  	s6 =	rddreg [dreg:$0x7]  }
0x2f: {  	[tilespmem:s21], [sflag:$0x2] =	stream.indirect.gather [hbm4b:s1+s19], $0x80, s6, s19, $0xb8;
	[tilespmem:$0x8B00] =	vst v63  }
0x30: {  	s10 =	sand.u32 $0x70, s4;
	s17 =	sand.u32 $0x200, s4;
	s8 =	rddreg [dreg:$0x8]  }
0x31: {  	[tilespmem:s22], [sflag:$0x3] =	stream.indirect.gather [hbm4b:s1+s19], $0x80, s8, s19, $0xb8;
	[tilespmem:$0x8B00] =	vst v63  }
0x32: {  	s5 =	sor.u32 s10, s17;
	s9 =	rddreg [dreg:$0x9]  }
0x33: {  	[tilespmem:s23], [sflag:$0x4] =	stream.indirect.gather [hbm4b:s1+s19], $0x80, s9, s19, $0xb8;
	[tilespmem:$0x8B00] =	vst v63  }
0x34: {  	v9 =	vld.idx.msk [tilespmem:v8+s5+$0x0 ss:$0x1], $0xffff;
	_ =	sdelay $0x2  }
0x35: {  	s6 =	simm.s32 $0x40;
	s5 =	simm.s32 $0x10  }
0x36: {  	s17 =	sand.u32 $0x200, s6;
	s8 =	sand.u32 $0x70, s5  }
0x37: {  	s8 =	sor.u32 s8, s17;
	vm1 =	veq.s32 v9, $0x0  }
0x38: {  	s17 =	simm.s32 $0x20;
	v10 =	vld.idx.msk [tilespmem:v8+s8+$0x0 ss:$0x1], $0xffff;
	s8 =	simm.s32 $0x0;
	v9 =	vimm.s32 $0x100000;
	v11 =	vmpcnt.ones.xlane vm1;
	v12 =	vmctz.xlane vm1  }
.LBB2_2:
0x39: {  	s9 =	sand.u32 $0x70, s17;
	s6 =	sadd.s32 $0x40, s6;
	p0 =	sne.s32 s17, $0xF0  }
.Ltmp2:
0x3a: {  	vm1 =	vgt.s32 v11, $0x0;
	v11 =	vadd.s32 s8, v12;
	s8 =	smov.u32 s5;
	s5 =	smov.u32 s17;
	(pc) =	sbr.rel @p0 .LBB2_2-.Ltmp2, $4  }
0x3b: {  	s10 =	sand.u32 $0x200, s6;
	s17 =	sadd.s32 $0x10, s17;
	v11 =	vnsel vm1, $0x100000, v11  }
0x3c: {  	s9 =	sor.u32 s9, s10;
	vm1 =	vlt.s32 v9, v11  }
0x3d: {  	vm2 =	veq.s32 v10, $0x0;
	v10 =	vld.idx.msk [tilespmem:v8+s9+$0x0 ss:$0x1], $0xffff;
	v9 =	vsel vm1, v9, v11  }
0x3e: {  	v11 =	vmpcnt.ones.xlane vm2;
	v12 =	vmctz.xlane vm2  }
0x3f: {  	_ =	swait.ge [sflag:s24], $0x200  }
0x40: {  	[sflag:s24] =	ssyncset.done $0x0  }
0x41: {  	[sflag:s24] =	ssyncadd.s32 $0xFFFFFE00  }
0x42: {  	v13 =	vld [tilespmem:s11+$0x400];
	_ =	sdelay $0x1  }
0x43: {  	vm1 =	veq.s32 v10, $0x0  }
0x44: {  	v10 =	vmpcnt.ones.xlane vm1  }
0x45: {  	v62 =	vmctz.xlane vm1;
	vm1 =	vgt.s32 v11, $0x0;
	v11 =	vadd.s32 s8, v12  }
0x46: {  	v11 =	vnsel vm1, $0x100000, v11;
	vm2 =	veq.s32 v13, $0x0  }
0x47: {  	vm1 =	vgt.s32 v10, $0x0;
	v13 =	vadd.s32 s5, v62;
	vm2 =	vmand vm2, vm0  }
0x48: {  	v10 =	vmpcnt.ones.xlane vm2;
	v63 =	vmctz.xlane vm2;
	vm2 =	vlt.s32 v9, v11  }
0x49: {  	v9 =	vsel vm2, v9, v11;
	v11 =	vnsel vm1, $0x100000, v13  }
0x4a: {  	vm1 =	vlt.s32 v9, v11;
	vm2 =	vgt.s32 v10, $0x0;
	v10 =	vadd.s32 $0x100, v63  }
0x4b: {  	v9 =	vsel vm1, v9, v11;
	v10 =	vnsel vm2, $0x100000, v10  }
0x4c: {  	vm1 =	vlt.s32 v9, v10  }
0x4d: {  	v9 =	vsel vm1, v9, v10  }
0x4e: {  	v10 =	vxor.u32 $0x80000000, v9  }
0x4f: {  	(xrf0) =	vmin.scan.msk.u32 $0xffff, v10;
	_ =	sdelay $0x5  }
0x50: {  	v10, _, _ =	vpop (xrf0)  }
0x51: {  	(v2sf) =	vpush v10, $0xF;
	_ =	sdelay $0xe  }
0x52: {  	s6 =	spop (v2sf)  }
0x53: {  	s5 =	sadd.s32 $0x7FFFFFF6, s6  }
0x54: {  	s10 =	rddreg [dreg:$0x2];
	s17 =	sxor.u32 $0x80000000, s6;
	p0 =	sgt.s32 s5, $0xFF  }
0x55: {  	p1 =	sgt.s32 s5, $0x3F;
	s8 =	simm.s32 @!p0 $0x0;
	s9 =	simm.s32 @!p0 $0x600  }
0x56: {  	[tilespmem:s9], [sflag:$0xB] =	stream.linear.gather @!p0 [hbm4b:s10+s8], $0x500, $0x38;
	[tilespmem:$0x8B00] =	vst v63  }
0x57: {  	p2 =	slt.s32 @!p1 s17, $0x1;
	s8 =	simm.s32 @!p0 $0xB  }
0x58: {  	p1 =	por p1, p2;
	_ =	swait.ge @!p0 [sflag:s8], $0x500  }
.Ltmp3:
0x59: {  	[sflag:s8] =	ssyncset.done @!p0 $0x0;
	(pc) =	sbr.rel @p1 .LBB2_7-.Ltmp3, $4  }
0x5a: {  	[sflag:s8] =	ssyncadd.s32 @!p0 $0xFFFFFB00  }
0x5b: {  	_ =	swait.ge [sflag:s25], $0x2000  }
0x5c: {  	[sflag:s25] =	ssyncset.done $0x0  }
0x5d: {  	[sflag:s25] =	ssyncadd.s32 $0xFFFFE000  }
0x5e: {  	s6 =	simm.s32 $0xFFFFFFF6  }
0x5f: {  	v10 =	vadd.s32 s6, v9  }
0x60: {  	s6 =	simm.s32 $0x640;
	vm1 =	vlt.u32 v10, $0x40;
	v11 =	vshll.u32 v10, $0x7  }
0x61: {  	v10 =	vld [tilespmem:s6+$0xFFFFFFC0];
	v12 =	vor.u32 v0, v11;
	_ =	sdelay $0x4  }
0x62: {  	[tilespmem:v12+s20+$0x0] =	vst.idx.msk vm1, v10  }
0x63: {  	v58 =	vor.u32 v1, v11;
	v10 =	vld [tilespmem:s6+$0xFFFFFFD0];
	_ =	sdelay $0x4  }
0x64: {  	[tilespmem:v58+s20+$0x0] =	vst.idx.msk vm1, v10  }
0x65: {  	v59 =	vor.u32 v2, v11;
	v10 =	vld [tilespmem:s6+$0xFFFFFFE0];
	_ =	sdelay $0x4  }
0x66: {  	[tilespmem:v59+s20+$0x0] =	vst.idx.msk vm1, v10  }
0x67: {  	v60 =	vor.u32 v3, v11;
	v10 =	vld [tilespmem:s6+$0xFFFFFFF0];
	_ =	sdelay $0x4  }
0x68: {  	[tilespmem:v60+s20+$0x0] =	vst.idx.msk vm1, v10  }
0x69: {  	v61 =	vor.u32 v4, v11;
	v10 =	vld [tilespmem:s6+$0x0];
	_ =	sdelay $0x4  }
0x6a: {  	[tilespmem:v61+s20+$0x0] =	vst.idx.msk vm1, v10  }
0x6b: {  	v62 =	vor.u32 v5, v11;
	v10 =	vld [tilespmem:s6+$0x10];
	_ =	sdelay $0x4  }
0x6c: {  	[tilespmem:v62+s20+$0x0] =	vst.idx.msk vm1, v10  }
0x6d: {  	v63 =	vor.u32 v6, v11;
	v10 =	vld [tilespmem:s6+$0x20]  }
0x6e: {  	p1 =	por $0x0, $0x0  }
.Ltmp4:
0x6f: {  	_ = 	snop;
	(pc) =	sbr.rel @p1 .LBB2_6-.Ltmp4, $3  }
0x70: {  	_ =	sdelay $0x1  }
0x71: {  	[tilespmem:v63+s20+$0x0] =	vst.idx.msk vm1, v10  }
0x72: {  	s8 =	simm.s32 $0xFFFFFFF7;
	v11 =	vor.u32 v7, v11;
	v10 =	vld [tilespmem:s6+$0x30]  }
.LBB2_5:
0x73: {  	_ =	sdelay $0x2  }
0x74: {  	v12 =	vadd.s32 s8, v9;
	s8 =	sadd.s32 $0x1, s8  }
0x75: {  	s6 =	sadd.s32 $0x80, s6;
	v13 =	vshll.u32 v12, $0x7;
	p1 =	seq.s32 s8, $0x0;
	[tilespmem:v11+s20+$0x0] =	vst.idx.msk vm1, v10;
	vm1 =	vlt.u32 v12, $0x40  }
0x76: {  	v11 =	vor.u32 v0, v13;
	v10 =	vld [tilespmem:s6+$0xFFFFFFC0];
	_ =	sdelay $0x4  }
0x77: {  	[tilespmem:v11+s20+$0x0] =	vst.idx.msk vm1, v10  }
0x78: {  	v11 =	vor.u32 v1, v13;
	v10 =	vld [tilespmem:s6+$0xFFFFFFD0];
	_ =	sdelay $0x4  }
0x79: {  	[tilespmem:v11+s20+$0x0] =	vst.idx.msk vm1, v10  }
0x7a: {  	v11 =	vor.u32 v2, v13;
	v10 =	vld [tilespmem:s6+$0xFFFFFFE0];
	_ =	sdelay $0x4  }
0x7b: {  	[tilespmem:v11+s20+$0x0] =	vst.idx.msk vm1, v10  }
0x7c: {  	v11 =	vor.u32 v3, v13;
	v10 =	vld [tilespmem:s6+$0xFFFFFFF0];
	_ =	sdelay $0x4  }
0x7d: {  	[tilespmem:v11+s20+$0x0] =	vst.idx.msk vm1, v10  }
0x7e: {  	v11 =	vor.u32 v4, v13;
	v10 =	vld [tilespmem:s6+$0x0];
	_ =	sdelay $0x4  }
0x7f: {  	[tilespmem:v11+s20+$0x0] =	vst.idx.msk vm1, v10  }
0x80: {  	v11 =	vor.u32 v5, v13;
	v10 =	vld [tilespmem:s6+$0x10];
	_ =	sdelay $0x4  }
0x81: {  	[tilespmem:v11+s20+$0x0] =	vst.idx.msk vm1, v10  }
0x82: {  	v11 =	vor.u32 v6, v13;
	v10 =	vld [tilespmem:s6+$0x20];
	_ =	sdelay $0x1  }
.Ltmp5:
0x83: {  	(pc) =	sbr.rel @!p1 .LBB2_5-.Ltmp5, $3  }
0x84: {  	_ =	sdelay $0x1  }
0x85: {  	[tilespmem:v11+s20+$0x0] =	vst.idx.msk vm1, v10  }
0x86: {  	v11 =	vor.u32 v7, v13;
	v10 =	vld [tilespmem:s6+$0x30]  }
.LBB2_6:
0x87: {  	_ =	sdelay $0x4  }
0x88: {  	[tilespmem:v11+s20+$0x0] =	vst.idx.msk vm1, v10  }
.LBB2_7:
0x89: {  	p1 =	sgt.s32 s5, $0x7F  }
0x8a: {  	p2 =	slt.s32 @!p1 s17, $0x41  }
0x8b: {  	p1 =	por p1, p2  }
.Ltmp6:
0x8c: {  	_ = 	snop;
	(pc) =	sbr.rel @p1 .LBB2_11-.Ltmp6, $4  }
0x8d: {  	[hbm4b:s12+s4] =	stream.linear.scatter [tilespmem:s20], [sflag:$0x5], $0x2000, $0x38;
	[tilespmem:$0x8B00] =	vst v63  }
0x8e: {  	_ =	swait.ge [sflag:s26], $0x2000  }
0x8f: {  	[sflag:s26] =	ssyncset.done $0x0  }
0x90: {  	[sflag:s26] =	ssyncadd.s32 $0xFFFFE000  }
0x91: {  	s6 =	simm.s32 $0xFFFFFFF6  }
0x92: {  	v10 =	vadd.s32 s6, v9  }
0x93: {  	v11 =	vand.u32 $0xFFFFFFC0, v10  }
0x94: {  	s6 =	simm.s32 $0x640;
	vm1 =	veq.s32 v11, $0x40;
	v11 =	vshll.u32 v10, $0x7  }
0x95: {  	v10 =	vld [tilespmem:s6+$0xFFFFFFC0];
	v12 =	vor.u32 v0, v11;
	_ =	sdelay $0x4  }
0x96: {  	[tilespmem:v12+s20+$0x0] =	vst.idx.msk vm1, v10  }
0x97: {  	v58 =	vor.u32 v1, v11;
	v10 =	vld [tilespmem:s6+$0xFFFFFFD0];
	_ =	sdelay $0x4  }
0x98: {  	[tilespmem:v58+s20+$0x0] =	vst.idx.msk vm1, v10  }
0x99: {  	v59 =	vor.u32 v2, v11;
	v10 =	vld [tilespmem:s6+$0xFFFFFFE0];
	_ =	sdelay $0x4  }
0x9a: {  	[tilespmem:v59+s20+$0x0] =	vst.idx.msk vm1, v10  }
0x9b: {  	v60 =	vor.u32 v3, v11;
	v10 =	vld [tilespmem:s6+$0xFFFFFFF0];
	_ =	sdelay $0x4  }
0x9c: {  	[tilespmem:v60+s20+$0x0] =	vst.idx.msk vm1, v10  }
0x9d: {  	v61 =	vor.u32 v4, v11;
	v10 =	vld [tilespmem:s6+$0x0];
	_ =	sdelay $0x4  }
0x9e: {  	[tilespmem:v61+s20+$0x0] =	vst.idx.msk vm1, v10  }
0x9f: {  	v62 =	vor.u32 v5, v11;
	v10 =	vld [tilespmem:s6+$0x10];
	_ =	sdelay $0x4  }
0xa0: {  	[tilespmem:v62+s20+$0x0] =	vst.idx.msk vm1, v10  }
0xa1: {  	v63 =	vor.u32 v6, v11;
	v10 =	vld [tilespmem:s6+$0x20]  }
0xa2: {  	p1 =	por $0x0, $0x0  }
.Ltmp7:
0xa3: {  	_ = 	snop;
	(pc) =	sbr.rel @p1 .LBB2_10-.Ltmp7, $3  }
0xa4: {  	_ =	sdelay $0x1  }
0xa5: {  	[tilespmem:v63+s20+$0x0] =	vst.idx.msk vm1, v10  }
0xa6: {  	s8 =	simm.s32 $0xFFFFFFF7;
	v11 =	vor.u32 v7, v11;
	v10 =	vld [tilespmem:s6+$0x30]  }
.LBB2_9:
0xa7: {  	_ =	sdelay $0x1  }
0xa8: {  	v12 =	vadd.s32 s8, v9;
	s8 =	sadd.s32 $0x1, s8  }
0xa9: {  	v13 =	vand.u32 $0xFFFFFFC0, v12;
	p1 =	seq.s32 s8, $0x0  }
0xaa: {  	s6 =	sadd.s32 $0x80, s6;
	v12 =	vshll.u32 v12, $0x7;
	[tilespmem:v11+s20+$0x0] =	vst.idx.msk vm1, v10;
	vm1 =	veq.s32 v13, $0x40  }
0xab: {  	v11 =	vor.u32 v0, v12;
	v10 =	vld [tilespmem:s6+$0xFFFFFFC0];
	_ =	sdelay $0x4  }
0xac: {  	[tilespmem:v11+s20+$0x0] =	vst.idx.msk vm1, v10  }
0xad: {  	v11 =	vor.u32 v1, v12;
	v10 =	vld [tilespmem:s6+$0xFFFFFFD0];
	_ =	sdelay $0x4  }
0xae: {  	[tilespmem:v11+s20+$0x0] =	vst.idx.msk vm1, v10  }
0xaf: {  	v11 =	vor.u32 v2, v12;
	v10 =	vld [tilespmem:s6+$0xFFFFFFE0];
	_ =	sdelay $0x4  }
0xb0: {  	[tilespmem:v11+s20+$0x0] =	vst.idx.msk vm1, v10  }
0xb1: {  	v11 =	vor.u32 v3, v12;
	v10 =	vld [tilespmem:s6+$0xFFFFFFF0];
	_ =	sdelay $0x4  }
0xb2: {  	[tilespmem:v11+s20+$0x0] =	vst.idx.msk vm1, v10  }
0xb3: {  	v11 =	vor.u32 v4, v12;
	v10 =	vld [tilespmem:s6+$0x0];
	_ =	sdelay $0x4  }
0xb4: {  	[tilespmem:v11+s20+$0x0] =	vst.idx.msk vm1, v10  }
0xb5: {  	v11 =	vor.u32 v5, v12;
	v10 =	vld [tilespmem:s6+$0x10];
	_ =	sdelay $0x4  }
0xb6: {  	[tilespmem:v11+s20+$0x0] =	vst.idx.msk vm1, v10  }
0xb7: {  	v11 =	vor.u32 v6, v12;
	v10 =	vld [tilespmem:s6+$0x20];
	_ =	sdelay $0x1  }
.Ltmp8:
0xb8: {  	(pc) =	sbr.rel @!p1 .LBB2_9-.Ltmp8, $3  }
0xb9: {  	_ =	sdelay $0x1  }
0xba: {  	[tilespmem:v11+s20+$0x0] =	vst.idx.msk vm1, v10  }
0xbb: {  	v11 =	vor.u32 v7, v12;
	v10 =	vld [tilespmem:s6+$0x30]  }
.LBB2_10:
0xbc: {  	_ =	sdelay $0x4  }
0xbd: {  	[tilespmem:v11+s20+$0x0] =	vst.idx.msk vm1, v10  }
.LBB2_11:
0xbe: {  	p1 =	sgt.s32 s5, $0xBF  }
0xbf: {  	p2 =	slt.s32 @!p1 s17, $0x81  }
0xc0: {  	p1 =	por p1, p2  }
.Ltmp9:
0xc1: {  	_ = 	snop;
	(pc) =	sbr.rel @p1 .LBB2_15-.Ltmp9, $4  }
0xc2: {  	[hbm4b:s13+s4] =	stream.linear.scatter [tilespmem:s21], [sflag:$0x6], $0x2000, $0x38;
	[tilespmem:$0x8B00] =	vst v63  }
0xc3: {  	_ =	swait.ge [sflag:s28], $0x2000  }
0xc4: {  	[sflag:s28] =	ssyncset.done $0x0  }
0xc5: {  	[sflag:s28] =	ssyncadd.s32 $0xFFFFE000  }
0xc6: {  	s5 =	simm.s32 $0xFFFFFFF6  }
0xc7: {  	v10 =	vadd.s32 s5, v9  }
0xc8: {  	v11 =	vand.u32 $0xFFFFFFC0, v10  }
0xc9: {  	s5 =	simm.s32 $0x640;
	vm1 =	veq.s32 v11, $0x80;
	v11 =	vshll.u32 v10, $0x7  }
0xca: {  	v10 =	vld [tilespmem:s5+$0xFFFFFFC0];
	v12 =	vor.u32 v0, v11;
	_ =	sdelay $0x4  }
0xcb: {  	[tilespmem:v12+s20+$0x0] =	vst.idx.msk vm1, v10  }
0xcc: {  	v58 =	vor.u32 v1, v11;
	v10 =	vld [tilespmem:s5+$0xFFFFFFD0];
	_ =	sdelay $0x4  }
0xcd: {  	[tilespmem:v58+s20+$0x0] =	vst.idx.msk vm1, v10  }
0xce: {  	v59 =	vor.u32 v2, v11;
	v10 =	vld [tilespmem:s5+$0xFFFFFFE0];
	_ =	sdelay $0x4  }
0xcf: {  	[tilespmem:v59+s20+$0x0] =	vst.idx.msk vm1, v10  }
0xd0: {  	v60 =	vor.u32 v3, v11;
	v10 =	vld [tilespmem:s5+$0xFFFFFFF0];
	_ =	sdelay $0x4  }
0xd1: {  	[tilespmem:v60+s20+$0x0] =	vst.idx.msk vm1, v10  }
0xd2: {  	v61 =	vor.u32 v4, v11;
	v10 =	vld [tilespmem:s5+$0x0];
	_ =	sdelay $0x4  }
0xd3: {  	[tilespmem:v61+s20+$0x0] =	vst.idx.msk vm1, v10  }
0xd4: {  	v62 =	vor.u32 v5, v11;
	v10 =	vld [tilespmem:s5+$0x10];
	_ =	sdelay $0x4  }
0xd5: {  	[tilespmem:v62+s20+$0x0] =	vst.idx.msk vm1, v10  }
0xd6: {  	v63 =	vor.u32 v6, v11;
	v10 =	vld [tilespmem:s5+$0x20]  }
0xd7: {  	p1 =	por $0x0, $0x0  }
.Ltmp10:
0xd8: {  	_ = 	snop;
	(pc) =	sbr.rel @p1 .LBB2_14-.Ltmp10, $3  }
0xd9: {  	_ =	sdelay $0x1  }
0xda: {  	[tilespmem:v63+s20+$0x0] =	vst.idx.msk vm1, v10  }
0xdb: {  	s6 =	simm.s32 $0xFFFFFFF7;
	v11 =	vor.u32 v7, v11;
	v10 =	vld [tilespmem:s5+$0x30]  }
.LBB2_13:
0xdc: {  	_ =	sdelay $0x1  }
0xdd: {  	v12 =	vadd.s32 s6, v9;
	s6 =	sadd.s32 $0x1, s6  }
0xde: {  	v13 =	vand.u32 $0xFFFFFFC0, v12;
	p1 =	seq.s32 s6, $0x0  }
0xdf: {  	s5 =	sadd.s32 $0x80, s5;
	v12 =	vshll.u32 v12, $0x7;
	[tilespmem:v11+s20+$0x0] =	vst.idx.msk vm1, v10;
	vm1 =	veq.s32 v13, $0x80  }
0xe0: {  	v11 =	vor.u32 v0, v12;
	v10 =	vld [tilespmem:s5+$0xFFFFFFC0];
	_ =	sdelay $0x4  }
0xe1: {  	[tilespmem:v11+s20+$0x0] =	vst.idx.msk vm1, v10  }
0xe2: {  	v11 =	vor.u32 v1, v12;
	v10 =	vld [tilespmem:s5+$0xFFFFFFD0];
	_ =	sdelay $0x4  }
0xe3: {  	[tilespmem:v11+s20+$0x0] =	vst.idx.msk vm1, v10  }
0xe4: {  	v11 =	vor.u32 v2, v12;
	v10 =	vld [tilespmem:s5+$0xFFFFFFE0];
	_ =	sdelay $0x4  }
0xe5: {  	[tilespmem:v11+s20+$0x0] =	vst.idx.msk vm1, v10  }
0xe6: {  	v11 =	vor.u32 v3, v12;
	v10 =	vld [tilespmem:s5+$0xFFFFFFF0];
	_ =	sdelay $0x4  }
0xe7: {  	[tilespmem:v11+s20+$0x0] =	vst.idx.msk vm1, v10  }
0xe8: {  	v11 =	vor.u32 v4, v12;
	v10 =	vld [tilespmem:s5+$0x0];
	_ =	sdelay $0x4  }
0xe9: {  	[tilespmem:v11+s20+$0x0] =	vst.idx.msk vm1, v10  }
0xea: {  	v11 =	vor.u32 v5, v12;
	v10 =	vld [tilespmem:s5+$0x10];
	_ =	sdelay $0x4  }
0xeb: {  	[tilespmem:v11+s20+$0x0] =	vst.idx.msk vm1, v10  }
0xec: {  	v11 =	vor.u32 v6, v12;
	v10 =	vld [tilespmem:s5+$0x20];
	_ =	sdelay $0x1  }
.Ltmp11:
0xed: {  	(pc) =	sbr.rel @!p1 .LBB2_13-.Ltmp11, $3  }
0xee: {  	_ =	sdelay $0x1  }
0xef: {  	[tilespmem:v11+s20+$0x0] =	vst.idx.msk vm1, v10  }
0xf0: {  	v11 =	vor.u32 v7, v12;
	v10 =	vld [tilespmem:s5+$0x30]  }
.LBB2_14:
0xf1: {  	_ =	sdelay $0x4  }
0xf2: {  	[tilespmem:v11+s20+$0x0] =	vst.idx.msk vm1, v10  }
.LBB2_15:
0xf3: {  	p1 =	slt.s32 @!p0 s17, $0xC1  }
0xf4: {  	p0 =	por p0, p1  }
.Ltmp12:
0xf5: {  	_ = 	snop;
	(pc) =	sbr.rel @p0 .LBB2_19-.Ltmp12, $4  }
0xf6: {  	[hbm4b:s14+s4] =	stream.linear.scatter [tilespmem:s22], [sflag:$0x7], $0x2000, $0x38;
	[tilespmem:$0x8B00] =	vst v63  }
0xf7: {  	_ =	swait.ge [sflag:s29], $0x2000  }
0xf8: {  	[sflag:s29] =	ssyncset.done $0x0  }
0xf9: {  	[sflag:s29] =	ssyncadd.s32 $0xFFFFE000  }
0xfa: {  	s5 =	simm.s32 $0xFFFFFFF6  }
0xfb: {  	v10 =	vadd.s32 s5, v9  }
0xfc: {  	v11 =	vand.u32 $0xFFFFFFC0, v10  }
0xfd: {  	s5 =	simm.s32 $0x640;
	vm1 =	veq.s32 v11, $0xC0;
	v11 =	vshll.u32 v10, $0x7  }
0xfe: {  	v10 =	vld [tilespmem:s5+$0xFFFFFFC0];
	v12 =	vor.u32 v0, v11;
	_ =	sdelay $0x4  }
0xff: {  	[tilespmem:v12+s20+$0x0] =	vst.idx.msk vm1, v10  }
0x100: {  	v58 =	vor.u32 v1, v11;
	v10 =	vld [tilespmem:s5+$0xFFFFFFD0];
	_ =	sdelay $0x4  }
0x101: {  	[tilespmem:v58+s20+$0x0] =	vst.idx.msk vm1, v10  }
0x102: {  	v59 =	vor.u32 v2, v11;
	v10 =	vld [tilespmem:s5+$0xFFFFFFE0];
	_ =	sdelay $0x4  }
0x103: {  	[tilespmem:v59+s20+$0x0] =	vst.idx.msk vm1, v10  }
0x104: {  	v60 =	vor.u32 v3, v11;
	v10 =	vld [tilespmem:s5+$0xFFFFFFF0];
	_ =	sdelay $0x4  }
0x105: {  	[tilespmem:v60+s20+$0x0] =	vst.idx.msk vm1, v10  }
0x106: {  	v61 =	vor.u32 v4, v11;
	v10 =	vld [tilespmem:s5+$0x0];
	_ =	sdelay $0x4  }
0x107: {  	[tilespmem:v61+s20+$0x0] =	vst.idx.msk vm1, v10  }
0x108: {  	v62 =	vor.u32 v5, v11;
	v10 =	vld [tilespmem:s5+$0x10];
	_ =	sdelay $0x4  }
0x109: {  	[tilespmem:v62+s20+$0x0] =	vst.idx.msk vm1, v10  }
0x10a: {  	v63 =	vor.u32 v6, v11;
	v10 =	vld [tilespmem:s5+$0x20];
	_ =	sdelay $0x2  }
0x10b: {  	p0 =	por $0x0, $0x0  }
.Ltmp13:
0x10c: {  	_ = 	snop;
	(pc) =	sbr.rel @p0 .LBB2_18-.Ltmp13, $3  }
0x10d: {  	[tilespmem:v63+s20+$0x0] =	vst.idx.msk vm1, v10  }
0x10e: {  	v11 =	vor.u32 v7, v11;
	v10 =	vld [tilespmem:s5+$0x30];
	_ =	sdelay $0x1  }
0x10f: {  	s6 =	simm.s32 $0xFFFFFFF7  }
.LBB2_17:
0x110: {  	v12 =	vadd.s32 s6, v9;
	s6 =	sadd.s32 $0x1, s6  }
0x111: {  	v13 =	vand.u32 $0xFFFFFFC0, v12;
	p0 =	seq.s32 s6, $0x0  }
0x112: {  	s5 =	sadd.s32 $0x80, s5;
	v12 =	vshll.u32 v12, $0x7;
	[tilespmem:v11+s20+$0x0] =	vst.idx.msk vm1, v10;
	vm1 =	veq.s32 v13, $0xC0  }
0x113: {  	v11 =	vor.u32 v0, v12;
	v10 =	vld [tilespmem:s5+$0xFFFFFFC0];
	_ =	sdelay $0x4  }
0x114: {  	[tilespmem:v11+s20+$0x0] =	vst.idx.msk vm1, v10  }
0x115: {  	v11 =	vor.u32 v1, v12;
	v10 =	vld [tilespmem:s5+$0xFFFFFFD0];
	_ =	sdelay $0x4  }
0x116: {  	[tilespmem:v11+s20+$0x0] =	vst.idx.msk vm1, v10  }
0x117: {  	v11 =	vor.u32 v2, v12;
	v10 =	vld [tilespmem:s5+$0xFFFFFFE0];
	_ =	sdelay $0x4  }
0x118: {  	[tilespmem:v11+s20+$0x0] =	vst.idx.msk vm1, v10  }
0x119: {  	v11 =	vor.u32 v3, v12;
	v10 =	vld [tilespmem:s5+$0xFFFFFFF0];
	_ =	sdelay $0x4  }
0x11a: {  	[tilespmem:v11+s20+$0x0] =	vst.idx.msk vm1, v10  }
0x11b: {  	v11 =	vor.u32 v4, v12;
	v10 =	vld [tilespmem:s5+$0x0];
	_ =	sdelay $0x4  }
0x11c: {  	[tilespmem:v11+s20+$0x0] =	vst.idx.msk vm1, v10  }
0x11d: {  	v11 =	vor.u32 v5, v12;
	v10 =	vld [tilespmem:s5+$0x10];
	_ =	sdelay $0x4  }
0x11e: {  	[tilespmem:v11+s20+$0x0] =	vst.idx.msk vm1, v10  }
0x11f: {  	v11 =	vor.u32 v6, v12;
	v10 =	vld [tilespmem:s5+$0x20];
	_ =	sdelay $0x1  }
.Ltmp14:
0x120: {  	(pc) =	sbr.rel @!p0 .LBB2_17-.Ltmp14, $3  }
0x121: {  	_ =	sdelay $0x1  }
0x122: {  	[tilespmem:v11+s20+$0x0] =	vst.idx.msk vm1, v10  }
0x123: {  	v11 =	vor.u32 v7, v12;
	v10 =	vld [tilespmem:s5+$0x30]  }
.Ltmp15:
0x124: {  	_ = 	snop;
	(pc) =	sbr.rel .LBB2_18-.Ltmp15, $1  }
0x125: {  	_ =	sdelay $0x3  }
.LBB2_20:
0x126: {  	_ =	sfence.sel $0x180000  }
0x127: {  	[bflag:$0x0] =	sbarrier.arrive $0xFFFF  }
0x128: {  	_ =	strace $0x90000047  }
0x129: {  	s0 =	stileid.u32;
	[bflag:$0x2] =	sbarrier.arrive $0xFFFF  }
0x12a: {  	p0 =	sne.s32 s0, $0x0;
	s0 =	rddreg [dreg:$0x4]  }
0x12b: {  	s0 =	sadd.s32 @!p0 $0x100000, s0  }
0x12c: {  	[sflag:s0] =	ssyncadd.tile.s32 @!p0 $0x1;
	_ =	shalt  }
.Lfunc_end2:
_tile_overlayer_lowered:
.L_overlay_start_2:
0x12d: {  	(tag) =	ssettag $0x2  }
0x12e: {  	s0 =	rddreg [dreg:$0x0];
	s2 =	stileid.u32  }
0x12f: {  	s1 =	rddreg [dreg:$0x1];
	p0 =	sne.s32 s2, $0x0  }
0x130: {  	s3 =	rddreg [dreg:$0x2];
	[bflag:$0x3] =	sbarrier.arrive $0xFFFF;
	s2 =	simm.s32 @!p0 $0x1C0B  }
0x131: {  	[timem:s3], [sflag:s2] =	dma.local @!p0 [hbm:s0], s1  }
0x132: {  	s0 =	simm.s32 @!p0 $0xB  }
0x133: {  	_ =	swait.ge @!p0 [sflag:s0], s1  }
0x134: {  	s1 =	ssub.s32 @!p0 $0x0, s1;
	[sflag:s0] =	ssyncset.done @!p0 $0x0  }
0x135: {  	[sflag:s0] =	ssyncadd.s32 @!p0 s1  }
0x136: {  	[bflag:$0x3] =	sbarrier.arrive $0xFFFF  }
0x137: {  	_ =	shalt  }

</sc_bundles>
